<compile_context>
chip_gen: v7x
topology: tpu7x:2x2x1
jax: 0.10.2.dev20260603
libtpu: 0.0.44.dev20260713+nightly
codegen_flags: <defaults>
</compile_context>

<pallas_src>
import functools

import jax
import jax.numpy as jnp
from jax import lax
from jax.experimental import pallas as pl
from jax.experimental.pallas import tpu as pltpu
from jax.experimental.pallas import tpu_sc as plsc

N_NODES = 10000
N_EDGES = 320000
DH = 8
NP = 10240
PR = NP * DH // 128
PV = N_NODES * DH // 128

NC = 2
NS = 16
NW = NC * NS
EPT = N_EDGES // NW
CH = 80
NCHUNK = EPT // CH

_SC_PARAMS = pltpu.CompilerParams(use_tc_tiling_on_sc=False)



def _deg_body(ei_hbm, zeros_hbm, ones_hbm, out_hbm, dst_v, ones_v, acc, sem):
    c = lax.axis_index("c")
    s = lax.axis_index("s")
    wid = c * NS + s

    @pl.when(s == 0)
    def _():
        pltpu.sync_copy(zeros_hbm, acc)

    pltpu.sync_copy(ones_hbm, ones_v)
    pltpu.sync_copy(ei_hbm.at[1, pl.ds(wid * EPT, EPT)], dst_v)
    plsc.subcore_barrier()

    def fire(j, carry):
        pltpu.async_copy(ones_v, acc.at[dst_v.at[pl.ds(j * CH, CH)]], sem, add=True)
        return carry

    lax.fori_loop(0, NCHUNK, fire, 0)

    def drain(j, carry):
        pltpu.make_async_copy(ones_hbm, ones_v, sem).wait()
        return carry

    lax.fori_loop(0, NCHUNK, drain, 0)
    plsc.subcore_barrier()

    @pl.when(s == 0)
    def _():
        pltpu.sync_copy(acc, out_hbm.at[c])


NPT = NP // NW
NLC = NPT // CH

_SC_AGG_SCRATCH = [
    pltpu.VMEM((EPT,), jnp.int32),
    pltpu.VMEM((EPT,), jnp.int32),
    pltpu.VMEM((NCHUNK, CH, DH), jnp.float32),
    pltpu.VMEM((NPT,), jnp.int32),
    pltpu.VMEM((NPT, DH), jnp.float32),
    pltpu.VMEM_SHARED((NP, DH), jnp.float32),
    pltpu.VMEM_SHARED((NP, DH), jnp.float32),
    pltpu.SemaphoreType.DMA,
    pltpu.SemaphoreType.DMA,
]


def _agg_body(table_hbm, ei_hbm, zeros_hbm, out_hbm,
              src_v, dst_v, rows_v, idx_v, loop_v, acc, tab, sem_g, sem_s):
    c = lax.axis_index("c")
    s = lax.axis_index("s")
    wid = c * NS + s

    @pl.when(s == 0)
    def _():
        pltpu.sync_copy(zeros_hbm, acc)

    @pl.when(s == 1)
    def _():
        pltpu.sync_copy(table_hbm, tab)

    pltpu.sync_copy(ei_hbm.at[0, pl.ds(wid * EPT, EPT)], src_v)
    pltpu.sync_copy(ei_hbm.at[1, pl.ds(wid * EPT, EPT)], dst_v)
    base2 = wid * NPT
    for k in range(NPT // 16):
        idx_v[pl.ds(k * 16, 16)] = lax.iota(jnp.int32, 16) + (base2 + k * 16)
    plsc.subcore_barrier()

    def fire(j, carry):
        pltpu.async_copy(
            tab.at[src_v.at[pl.ds(j * CH, CH)]], rows_v.at[j], sem_g
        )
        return carry

    lax.fori_loop(0, NCHUNK, fire, 0)
    pltpu.sync_copy(tab.at[pl.ds(base2, NPT)], loop_v)
    for k in range(NLC):
        pltpu.async_copy(
            loop_v.at[pl.ds(k * CH, CH)],
            acc.at[idx_v.at[pl.ds(k * CH, CH)]],
            sem_s,
            add=True,
        )

    def scat(j, carry):
        pltpu.make_async_copy(table_hbm.at[pl.ds(0, CH)], rows_v.at[j], sem_g).wait()
        pltpu.async_copy(
            rows_v.at[j], acc.at[dst_v.at[pl.ds(j * CH, CH)]], sem_s, add=True
        )
        return carry

    lax.fori_loop(0, NCHUNK, scat, 0)

    def drain(j, carry):
        pltpu.make_async_copy(table_hbm.at[pl.ds(0, CH)], rows_v.at[0], sem_s).wait()
        return carry

    lax.fori_loop(0, NCHUNK + NLC, drain, 0)
    plsc.subcore_barrier()

    @pl.when(s == 0)
    def _():
        pltpu.sync_copy(acc, out_hbm.at[c])


@functools.lru_cache(maxsize=None)
def _sc_mesh():
    return plsc.VectorSubcoreMesh(
        core_axis_name="c", subcore_axis_name="s", num_cores=NC, num_subcores=NS
    )


@functools.lru_cache(maxsize=None)
def _deg_kernel_fn():
    return pl.kernel(
        _deg_body,
        mesh=_sc_mesh(),
        compiler_params=_SC_PARAMS,
        out_type=jax.ShapeDtypeStruct((NC, NP), jnp.float32),
        scratch_types=[
            pltpu.VMEM((EPT,), jnp.int32),
            pltpu.VMEM((CH,), jnp.float32),
            pltpu.VMEM_SHARED((NP,), jnp.float32),
            pltpu.SemaphoreType.DMA,
        ],
    )


@functools.lru_cache(maxsize=None)
def _agg_kernel_fn():
    return pl.kernel(
        _agg_body,
        mesh=_sc_mesh(),
        compiler_params=_SC_PARAMS,
        out_type=jax.ShapeDtypeStruct((NC, NP, DH), jnp.float32),
        scratch_types=_SC_AGG_SCRATCH,
    )



def _tc1a_body(xv_ref, w1_ref, hp_ref):
    for u in range(16):
        h = jnp.dot(xv_ref[:, u, :], w1_ref[...],
                    preferred_element_type=jnp.float32)
        hp_ref[0:PV, 8 * u:8 * u + 8] = h
        hp_ref[PV:PR, 8 * u:8 * u + 8] = jnp.zeros((PR - PV, DH), jnp.float32)


def _tc1b_body(hp_ref, degv_ref, e_ref, g1_ref, dinvp_ref):
    deg16 = degv_ref[0] + degv_ref[1] + 1.0
    dinvp = jnp.dot(lax.rsqrt(deg16), e_ref[...],
                    preferred_element_type=jnp.float32,
                    precision=lax.Precision.HIGHEST)
    dinvp_ref[...] = dinvp
    g1_ref[...] = hp_ref[...] * dinvp


def _tc2_body(s1p_ref, dinvp_ref, b1p_ref, w2big_ref, g2p_ref):
    t = dinvp_ref[...] * (s1p_ref[0] + s1p_ref[1]) + b1p_ref[...]
    r = jnp.maximum(t, 0.0)
    h2 = jnp.dot(r, w2big_ref[...],
                 preferred_element_type=jnp.float32, precision=lax.Precision.HIGHEST)
    g2p_ref[...] = h2 * dinvp_ref[...]


def _tc3_body(s2p_ref, dinvp_ref, b2p_ref, g_ref, sel_ref, out_ref):
    t = dinvp_ref[...] * (s2p_ref[0] + s2p_ref[1]) + b2p_ref[...]
    col = lax.broadcasted_iota(jnp.int32, (PR, 128), 1)
    valid = col % 8 < 3
    tm = jnp.where(valid, t, -jnp.inf)
    m = jnp.max(tm, axis=1, keepdims=True)
    ex = jnp.where(valid, jnp.exp(t - m), 0.0)
    se = jnp.dot(ex, g_ref[...],
                 preferred_element_type=jnp.float32, precision=lax.Precision.HIGHEST)
    out_ref[...] = jnp.dot(t - m - jnp.log(se), sel_ref[...],
                           preferred_element_type=jnp.float32,
                           precision=lax.Precision.HIGHEST)


_F32 = jnp.float32


def _tc1a(xv, w1):
    return pl.pallas_call(
        _tc1a_body,
        out_shape=jax.ShapeDtypeStruct((PR, 128), _F32),
    )(xv, w1)


def _tc1b(hp, degv, e):
    return pl.pallas_call(
        _tc1b_body,
        out_shape=(
            jax.ShapeDtypeStruct((PR, 128), _F32),
            jax.ShapeDtypeStruct((PR, 128), _F32),
        ),
    )(hp, degv, e)


def _tc2(s1p, dinvp, b1p, w2big):
    return pl.pallas_call(
        _tc2_body,
        out_shape=jax.ShapeDtypeStruct((PR, 128), _F32),
    )(s1p, dinvp, b1p, w2big)


def _tc3(s2p, dinvp, b2p, g, sel):
    return pl.pallas_call(
        _tc3_body,
        out_shape=jax.ShapeDtypeStruct((PR, 48), _F32),
    )(s2p, dinvp, b2p, g, sel)



@jax.jit
def kernel(x, edge_index, W1, b1, W2, b2):
    ei = edge_index.astype(jnp.int32)

    zeros1 = jnp.zeros((NP,), _F32)
    zeros8 = jnp.zeros((NP, DH), _F32)
    ones = jnp.ones((CH,), _F32)
    w2p = jnp.zeros((DH, DH), _F32).at[:, :3].set(W2)
    w2big = jnp.kron(jnp.eye(16, dtype=_F32), w2p)
    gsum = jnp.kron(jnp.eye(16, dtype=_F32), jnp.ones((DH, DH), _F32))
    e16 = jnp.kron(jnp.eye(16, dtype=_F32), jnp.ones((1, DH), _F32))
    sel48 = jnp.kron(jnp.eye(16, dtype=_F32), jnp.eye(DH, 3, dtype=_F32))
    b1p = jnp.reshape(jnp.tile(b1, 16), (1, 128))
    b2p = jnp.reshape(jnp.tile(jnp.concatenate([b2, jnp.zeros((5,), _F32)]), 16), (1, 128))

    degp = _deg_kernel_fn()(ei, zeros1, ones)
    degv = jnp.reshape(degp, (NC, PR, 16))
    xv = jnp.reshape(x, (PV, 16, 128))
    hp = _tc1a(xv, W1)
    g1p, dinvp = _tc1b(hp, degv, e16)
    s1p = _agg_kernel_fn()(jnp.reshape(g1p, (NP, DH)), ei, zeros8)
    g2p = _tc2(jnp.reshape(s1p, (NC, PR, 128)), dinvp, b1p, w2big)
    s2p = _agg_kernel_fn()(jnp.reshape(g2p, (NP, DH)), ei, zeros8)
    outp = _tc3(jnp.reshape(s2p, (NC, PR, 128)), dinvp, b2p, gsum, sel48)
    return jnp.reshape(outp, (NP, 3))[:N_NODES]

# --- scband reference (transcript-rebuilt; emitter-appended) ---
"""Pipeline reference for scband-gcn-32169305047308 (READ-ONLY COPY).

The authoritative reference and input builder live on the scoring server;
editing this copy changes nothing except your own understanding.
"""

import jax, jax.numpy as jnp
import numpy as np

N_NODES = 10000
D_IN = 128
D_HID = 8
D_OUT = 3
N_EDGES = 320000


def gcn_conv(x, edge_index, W, b, n_nodes):
    # PyG-style GCNConv: linear transform, add self-loops, symmetric normalization, scatter-add aggregate, bias
    src = edge_index[0]
    dst = edge_index[1]
    loop = jnp.arange(n_nodes, dtype=edge_index.dtype)
    src = jnp.concatenate([src, loop])
    dst = jnp.concatenate([dst, loop])
    deg = jnp.zeros((n_nodes,), dtype=x.dtype).at[dst].add(1.0)
    dinv = jnp.where(deg > 0, deg ** -0.5, 0.0)
    norm = dinv[src] * dinv[dst]
    h = x @ W
    msg = h[src] * norm[:, None]
    out = jax.ops.segment_sum(msg, dst, num_segments=n_nodes)
    return out + b


def setup_inputs(seed: int = 0) -> dict:
    key = jax.random.key(seed)
    k_x, k_e, k_w1, k_w2 = jax.random.split(key, 4)
    x = jax.random.normal(k_x, (N_NODES, D_IN), dtype=jnp.float32)
    edge_index = jax.random.randint(k_e, (2, N_EDGES), 0, N_NODES, dtype=jnp.int64)
    # glorot-style init for GCNConv weights
    s1 = (6.0 / (D_IN + D_HID)) ** 0.5
    W1 = jax.random.uniform(k_w1, (D_IN, D_HID), dtype=jnp.float32, minval=-s1, maxval=s1)
    b1 = jnp.zeros((D_HID,), dtype=jnp.float32)
    s2 = (6.0 / (D_HID + D_OUT)) ** 0.5
    W2 = jax.random.uniform(k_w2, (D_HID, D_OUT), dtype=jnp.float32, minval=-s2, maxval=s2)
    b2 = jnp.zeros((D_OUT,), dtype=jnp.float32)
    return {"x": x, "edge_index": edge_index, "W1": W1, "b1": b1, "W2": W2, "b2": b2}


def reference(x, edge_index, W1, b1, W2, b2):
    n_nodes = x.shape[0]
    h = gcn_conv(x, edge_index, W1, b1, n_nodes)
    h = jax.nn.relu(h)
    h = gcn_conv(h, edge_index, W2, b2, n_nodes)
    return jax.nn.log_softmax(h, axis=1)

if __name__ == "__main__":
    import jax
    _d = setup_inputs()
    print(jax.jit(kernel)(*tuple(_d.values())))

</pallas_src>

<mosaic_0001>
#map = affine_map<(d0, d1) -> (0, 0)>
#map1 = affine_map<(d0, d1) -> (0, 0, 0)>
module attributes {stable_mosaic.version = 14 : i64} {
  func.func @_agg_body(%arg0: i32, %arg1: i32, %arg2: memref<10240x8xf32, #tpu.memory_space<hbm>>, %arg3: memref<2x320000xi32, #tpu.memory_space<hbm>>, %arg4: memref<10240x8xf32, #tpu.memory_space<hbm>>, %arg5: memref<2x10240x8xf32, #tpu.memory_space<hbm>>, %arg6: memref<10000xi32, #tpu.memory_space<vmem>>, %arg7: memref<10000xi32, #tpu.memory_space<vmem>>, %arg8: memref<125x80x8xf32, #tpu.memory_space<vmem>>, %arg9: memref<320xi32, #tpu.memory_space<vmem>>, %arg10: memref<320x8xf32, #tpu.memory_space<vmem>>, %arg11: memref<10240x8xf32, #tpu.memory_space<vmem_shared>>, %arg12: memref<10240x8xf32, #tpu.memory_space<vmem_shared>>, %arg13: memref<!tpu.dma_semaphore, #tpu.memory_space<semaphore_mem>>, %arg14: memref<!tpu.dma_semaphore, #tpu.memory_space<semaphore_mem>>) attributes {dimension_semantics = [#tpu.dimension_semantics<core_parallel>, #tpu.dimension_semantics<subcore_parallel>], iteration_bounds = array<i64: 2, 16>, scalar_prefetch = 0 : i64, scratch_operands = 9 : i64, tpu.core_type = #tpu.core_type<sc_vector_subcore>, window_params = [{transform_indices = #map}, {transform_indices = #map}, {transform_indices = #map}, {transform_indices = #map1}]} {
    %mul3A = arith.constant 16 : i32
    %mul3A_0 = arith.muli %arg0, %mul3A : i32
    %add3A = arith.addi %mul3A_0, %arg1 : i32
    %eq3A = arith.constant 0 : i32
    %eq3A_1 = arith.cmpi eq, %arg1, %eq3A : i32
    %convert_element_type3A = arith.extui %eq3A_1 : i1 to i32
    %cond3A = arith.constant 0 : i32
    %cond3A_2 = arith.cmpi ne, %convert_element_type3A, %cond3A : i32
    scf.if %cond3A_2 {
      "tpu.region"() ({
        %run_scoped3A_247 = tpu.sem_alloc : memref<!tpu.dma_semaphore, #tpu.memory_space<semaphore_mem>>
        tpu.enqueue_dma source(%arg4 : memref<10240x8xf32, #tpu.memory_space<hbm>>) target(%arg11 : memref<10240x8xf32, #tpu.memory_space<vmem_shared>>) target_semaphore(%run_scoped3A_247 : memref<!tpu.dma_semaphore, #tpu.memory_space<semaphore_mem>>)
        tpu.wait_dma2 semaphore(%run_scoped3A_247 : memref<!tpu.dma_semaphore, #tpu.memory_space<semaphore_mem>>) src(%arg4 : memref<10240x8xf32, #tpu.memory_space<hbm>>) dst(%arg11 : memref<10240x8xf32, #tpu.memory_space<vmem_shared>>)
        tpu.yield
      }) : () -> ()
    } else {
    }
    %eq3A_3 = arith.constant 1 : i32
    %eq3A_4 = arith.cmpi eq, %arg1, %eq3A_3 : i32
    %convert_element_type3A_5 = arith.extui %eq3A_4 : i1 to i32
    %cond3A_6 = arith.constant 0 : i32
    %cond3A_7 = arith.cmpi ne, %convert_element_type3A_5, %cond3A_6 : i32
    scf.if %cond3A_7 {
      "tpu.region"() ({
        %run_scoped3A_247 = tpu.sem_alloc : memref<!tpu.dma_semaphore, #tpu.memory_space<semaphore_mem>>
        tpu.enqueue_dma source(%arg2 : memref<10240x8xf32, #tpu.memory_space<hbm>>) target(%arg12 : memref<10240x8xf32, #tpu.memory_space<vmem_shared>>) target_semaphore(%run_scoped3A_247 : memref<!tpu.dma_semaphore, #tpu.memory_space<semaphore_mem>>)
        tpu.wait_dma2 semaphore(%run_scoped3A_247 : memref<!tpu.dma_semaphore, #tpu.memory_space<semaphore_mem>>) src(%arg2 : memref<10240x8xf32, #tpu.memory_space<hbm>>) dst(%arg12 : memref<10240x8xf32, #tpu.memory_space<vmem_shared>>)
        tpu.yield
      }) : () -> ()
    } else {
    }
    %mul3A_8 = arith.constant 10000 : i32
    %mul3A_9 = arith.muli %add3A, %mul3A_8 : i32
    %run_scoped3A = arith.constant 0 : i32
    "tpu.region"() ({
      %run_scoped3A_247 = tpu.sem_alloc : memref<!tpu.dma_semaphore, #tpu.memory_space<semaphore_mem>>
      %dma_start3A_248 = tpu.memref_slice %arg3[%run_scoped3A, %mul3A_9] : memref<2x320000xi32, #tpu.memory_space<hbm>> -> memref<1x10000xi32, #tpu.memory_space<hbm>>
      %dma_start3A_249 = tpu.memref_squeeze %dma_start3A_248 : memref<1x10000xi32, #tpu.memory_space<hbm>> -> memref<10000xi32, #tpu.memory_space<hbm>>
      %dma_start3A_250 = tpu.memref_slice %arg3[%run_scoped3A, %mul3A_9] : memref<2x320000xi32, #tpu.memory_space<hbm>> -> memref<1x10000xi32, #tpu.memory_space<hbm>>
      %dma_start3A_251 = tpu.memref_squeeze %dma_start3A_250 : memref<1x10000xi32, #tpu.memory_space<hbm>> -> memref<10000xi32, #tpu.memory_space<hbm>>
      tpu.enqueue_dma source(%dma_start3A_251 : memref<10000xi32, #tpu.memory_space<hbm>>) target(%arg6 : memref<10000xi32, #tpu.memory_space<vmem>>) target_semaphore(%run_scoped3A_247 : memref<!tpu.dma_semaphore, #tpu.memory_space<semaphore_mem>>)
      %dma_wait3A = tpu.memref_slice %arg3[%run_scoped3A, %mul3A_9] : memref<2x320000xi32, #tpu.memory_space<hbm>> -> memref<1x10000xi32, #tpu.memory_space<hbm>>
      %dma_wait3A_252 = tpu.memref_squeeze %dma_wait3A : memref<1x10000xi32, #tpu.memory_space<hbm>> -> memref<10000xi32, #tpu.memory_space<hbm>>
      %dma_wait3A_253 = tpu.memref_slice %arg3[%run_scoped3A, %mul3A_9] : memref<2x320000xi32, #tpu.memory_space<hbm>> -> memref<1x10000xi32, #tpu.memory_space<hbm>>
      %dma_wait3A_254 = tpu.memref_squeeze %dma_wait3A_253 : memref<1x10000xi32, #tpu.memory_space<hbm>> -> memref<10000xi32, #tpu.memory_space<hbm>>
      tpu.wait_dma2 semaphore(%run_scoped3A_247 : memref<!tpu.dma_semaphore, #tpu.memory_space<semaphore_mem>>) src(%dma_wait3A_254 : memref<10000xi32, #tpu.memory_space<hbm>>) dst(%arg6 : memref<10000xi32, #tpu.memory_space<vmem>>)
      tpu.yield
    }) : () -> ()
    %mul3A_10 = arith.constant 10000 : i32
    %mul3A_11 = arith.muli %add3A, %mul3A_10 : i32
    %run_scoped3A_12 = arith.constant 1 : i32
    "tpu.region"() ({
      %run_scoped3A_247 = tpu.sem_alloc : memref<!tpu.dma_semaphore, #tpu.memory_space<semaphore_mem>>
      %dma_start3A_248 = tpu.memref_slice %arg3[%run_scoped3A_12, %mul3A_11] : memref<2x320000xi32, #tpu.memory_space<hbm>> -> memref<1x10000xi32, #tpu.memory_space<hbm>>
      %dma_start3A_249 = tpu.memref_squeeze %dma_start3A_248 : memref<1x10000xi32, #tpu.memory_space<hbm>> -> memref<10000xi32, #tpu.memory_space<hbm>>
      %dma_start3A_250 = tpu.memref_slice %arg3[%run_scoped3A_12, %mul3A_11] : memref<2x320000xi32, #tpu.memory_space<hbm>> -> memref<1x10000xi32, #tpu.memory_space<hbm>>
      %dma_start3A_251 = tpu.memref_squeeze %dma_start3A_250 : memref<1x10000xi32, #tpu.memory_space<hbm>> -> memref<10000xi32, #tpu.memory_space<hbm>>
      tpu.enqueue_dma source(%dma_start3A_251 : memref<10000xi32, #tpu.memory_space<hbm>>) target(%arg7 : memref<10000xi32, #tpu.memory_space<vmem>>) target_semaphore(%run_scoped3A_247 : memref<!tpu.dma_semaphore, #tpu.memory_space<semaphore_mem>>)
      %dma_wait3A = tpu.memref_slice %arg3[%run_scoped3A_12, %mul3A_11] : memref<2x320000xi32, #tpu.memory_space<hbm>> -> memref<1x10000xi32, #tpu.memory_space<hbm>>
      %dma_wait3A_252 = tpu.memref_squeeze %dma_wait3A : memref<1x10000xi32, #tpu.memory_space<hbm>> -> memref<10000xi32, #tpu.memory_space<hbm>>
      %dma_wait3A_253 = tpu.memref_slice %arg3[%run_scoped3A_12, %mul3A_11] : memref<2x320000xi32, #tpu.memory_space<hbm>> -> memref<1x10000xi32, #tpu.memory_space<hbm>>
      %dma_wait3A_254 = tpu.memref_squeeze %dma_wait3A_253 : memref<1x10000xi32, #tpu.memory_space<hbm>> -> memref<10000xi32, #tpu.memory_space<hbm>>
      tpu.wait_dma2 semaphore(%run_scoped3A_247 : memref<!tpu.dma_semaphore, #tpu.memory_space<semaphore_mem>>) src(%dma_wait3A_254 : memref<10000xi32, #tpu.memory_space<hbm>>) dst(%arg7 : memref<10000xi32, #tpu.memory_space<vmem>>)
      tpu.yield
    }) : () -> ()
    %mul3A_13 = arith.constant 320 : i32
    %mul3A_14 = arith.muli %add3A, %mul3A_13 : i32
    %iota3A = tpu.iota {dimensions = array<i32: 0>} : vector<16xi32>
    %add3A_15 = arith.constant 0 : i32
    %add3A_16 = arith.addi %mul3A_14, %add3A_15 : i32
    %add3A_17 = vector.broadcast %add3A_16 : i32 to vector<16xi32>
    %add3A_18 = arith.addi %iota3A, %add3A_17 : vector<16xi32>
    %swap3A = arith.constant 0 : index
    %swap3A_19 = tpu.vector_load %arg9[%swap3A] {strides = array<i32>} : memref<320xi32, #tpu.memory_space<vmem>>, vector<16xi32>,
    %swap3A_20 = vector.shape_cast %swap3A_19 : vector<16xi32> to vector<16xi32>
    %swap3A_21 = vector.shape_cast %add3A_18 : vector<16xi32> to vector<16xi32>
    tpu.vector_store %arg9[%swap3A], %swap3A_21 {strides = array<i32>} : memref<320xi32, #tpu.memory_space<vmem>>, vector<16xi32>,
    %iota3A_22 = tpu.iota {dimensions = array<i32: 0>} : vector<16xi32>
    %add3A_23 = arith.constant 16 : i32
    %add3A_24 = arith.addi %mul3A_14, %add3A_23 : i32
    %add3A_25 = vector.broadcast %add3A_24 : i32 to vector<16xi32>
    %add3A_26 = arith.addi %iota3A_22, %add3A_25 : vector<16xi32>
    %swap3A_27 = arith.constant 16 : index
    %swap3A_28 = tpu.vector_load %arg9[%swap3A_27] {strides = array<i32>} : memref<320xi32, #tpu.memory_space<vmem>>, vector<16xi32>,
    %swap3A_29 = vector.shape_cast %swap3A_28 : vector<16xi32> to vector<16xi32>
    %swap3A_30 = vector.shape_cast %add3A_26 : vector<16xi32> to vector<16xi32>
    tpu.vector_store %arg9[%swap3A_27], %swap3A_30 {strides = array<i32>} : memref<320xi32, #tpu.memory_space<vmem>>, vector<16xi32>,
    %iota3A_31 = tpu.iota {dimensions = array<i32: 0>} : vector<16xi32>
    %add3A_32 = arith.constant 32 : i32
    %add3A_33 = arith.addi %mul3A_14, %add3A_32 : i32
    %add3A_34 = vector.broadcast %add3A_33 : i32 to vector<16xi32>
    %add3A_35 = arith.addi %iota3A_31, %add3A_34 : vector<16xi32>
    %swap3A_36 = arith.constant 32 : index
    %swap3A_37 = tpu.vector_load %arg9[%swap3A_36] {strides = array<i32>} : memref<320xi32, #tpu.memory_space<vmem>>, vector<16xi32>,
    %swap3A_38 = vector.shape_cast %swap3A_37 : vector<16xi32> to vector<16xi32>
    %swap3A_39 = vector.shape_cast %add3A_35 : vector<16xi32> to vector<16xi32>
    tpu.vector_store %arg9[%swap3A_36], %swap3A_39 {strides = array<i32>} : memref<320xi32, #tpu.memory_space<vmem>>, vector<16xi32>,
    %iota3A_40 = tpu.iota {dimensions = array<i32: 0>} : vector<16xi32>
    %add3A_41 = arith.constant 48 : i32
    %add3A_42 = arith.addi %mul3A_14, %add3A_41 : i32
    %add3A_43 = vector.broadcast %add3A_42 : i32 to vector<16xi32>
    %add3A_44 = arith.addi %iota3A_40, %add3A_43 : vector<16xi32>
    %swap3A_45 = arith.constant 48 : index
    %swap3A_46 = tpu.vector_load %arg9[%swap3A_45] {strides = array<i32>} : memref<320xi32, #tpu.memory_space<vmem>>, vector<16xi32>,
    %swap3A_47 = vector.shape_cast %swap3A_46 : vector<16xi32> to vector<16xi32>
    %swap3A_48 = vector.shape_cast %add3A_44 : vector<16xi32> to vector<16xi32>
    tpu.vector_store %arg9[%swap3A_45], %swap3A_48 {strides = array<i32>} : memref<320xi32, #tpu.memory_space<vmem>>, vector<16xi32>,
    %iota3A_49 = tpu.iota {dimensions = array<i32: 0>} : vector<16xi32>
    %add3A_50 = arith.constant 64 : i32
    %add3A_51 = arith.addi %mul3A_14, %add3A_50 : i32
    %add3A_52 = vector.broadcast %add3A_51 : i32 to vector<16xi32>
    %add3A_53 = arith.addi %iota3A_49, %add3A_52 : vector<16xi32>
    %swap3A_54 = arith.constant 64 : index
    %swap3A_55 = tpu.vector_load %arg9[%swap3A_54] {strides = array<i32>} : memref<320xi32, #tpu.memory_space<vmem>>, vector<16xi32>,
    %swap3A_56 = vector.shape_cast %swap3A_55 : vector<16xi32> to vector<16xi32>
    %swap3A_57 = vector.shape_cast %add3A_53 : vector<16xi32> to vector<16xi32>
    tpu.vector_store %arg9[%swap3A_54], %swap3A_57 {strides = array<i32>} : memref<320xi32, #tpu.memory_space<vmem>>, vector<16xi32>,
    %iota3A_58 = tpu.iota {dimensions = array<i32: 0>} : vector<16xi32>
    %add3A_59 = arith.constant 80 : i32
    %add3A_60 = arith.addi %mul3A_14, %add3A_59 : i32
    %add3A_61 = vector.broadcast %add3A_60 : i32 to vector<16xi32>
    %add3A_62 = arith.addi %iota3A_58, %add3A_61 : vector<16xi32>
    %swap3A_63 = arith.constant 80 : index
    %swap3A_64 = tpu.vector_load %arg9[%swap3A_63] {strides = array<i32>} : memref<320xi32, #tpu.memory_space<vmem>>, vector<16xi32>,
    %swap3A_65 = vector.shape_cast %swap3A_64 : vector<16xi32> to vector<16xi32>
    %swap3A_66 = vector.shape_cast %add3A_62 : vector<16xi32> to vector<16xi32>
    tpu.vector_store %arg9[%swap3A_63], %swap3A_66 {strides = array<i32>} : memref<320xi32, #tpu.memory_space<vmem>>, vector<16xi32>,
    %iota3A_67 = tpu.iota {dimensions = array<i32: 0>} : vector<16xi32>
    %add3A_68 = arith.constant 96 : i32
    %add3A_69 = arith.addi %mul3A_14, %add3A_68 : i32
    %add3A_70 = vector.broadcast %add3A_69 : i32 to vector<16xi32>
    %add3A_71 = arith.addi %iota3A_67, %add3A_70 : vector<16xi32>
    %swap3A_72 = arith.constant 96 : index
    %swap3A_73 = tpu.vector_load %arg9[%swap3A_72] {strides = array<i32>} : memref<320xi32, #tpu.memory_space<vmem>>, vector<16xi32>,
    %swap3A_74 = vector.shape_cast %swap3A_73 : vector<16xi32> to vector<16xi32>
    %swap3A_75 = vector.shape_cast %add3A_71 : vector<16xi32> to vector<16xi32>
    tpu.vector_store %arg9[%swap3A_72], %swap3A_75 {strides = array<i32>} : memref<320xi32, #tpu.memory_space<vmem>>, vector<16xi32>,
    %iota3A_76 = tpu.iota {dimensions = array<i32: 0>} : vector<16xi32>
    %add3A_77 = arith.constant 112 : i32
    %add3A_78 = arith.addi %mul3A_14, %add3A_77 : i32
    %add3A_79 = vector.broadcast %add3A_78 : i32 to vector<16xi32>
    %add3A_80 = arith.addi %iota3A_76, %add3A_79 : vector<16xi32>
    %swap3A_81 = arith.constant 112 : index
    %swap3A_82 = tpu.vector_load %arg9[%swap3A_81] {strides = array<i32>} : memref<320xi32, #tpu.memory_space<vmem>>, vector<16xi32>,
    %swap3A_83 = vector.shape_cast %swap3A_82 : vector<16xi32> to vector<16xi32>
    %swap3A_84 = vector.shape_cast %add3A_80 : vector<16xi32> to vector<16xi32>
    tpu.vector_store %arg9[%swap3A_81], %swap3A_84 {strides = array<i32>} : memref<320xi32, #tpu.memory_space<vmem>>, vector<16xi32>,
    %iota3A_85 = tpu.iota {dimensions = array<i32: 0>} : vector<16xi32>
    %add3A_86 = arith.constant 128 : i32
    %add3A_87 = arith.addi %mul3A_14, %add3A_86 : i32
    %add3A_88 = vector.broadcast %add3A_87 : i32 to vector<16xi32>
    %add3A_89 = arith.addi %iota3A_85, %add3A_88 : vector<16xi32>
    %swap3A_90 = arith.constant 128 : index
    %swap3A_91 = tpu.vector_load %arg9[%swap3A_90] {strides = array<i32>} : memref<320xi32, #tpu.memory_space<vmem>>, vector<16xi32>,
    %swap3A_92 = vector.shape_cast %swap3A_91 : vector<16xi32> to vector<16xi32>
    %swap3A_93 = vector.shape_cast %add3A_89 : vector<16xi32> to vector<16xi32>
    tpu.vector_store %arg9[%swap3A_90], %swap3A_93 {strides = array<i32>} : memref<320xi32, #tpu.memory_space<vmem>>, vector<16xi32>,
    %iota3A_94 = tpu.iota {dimensions = array<i32: 0>} : vector<16xi32>
    %add3A_95 = arith.constant 144 : i32
    %add3A_96 = arith.addi %mul3A_14, %add3A_95 : i32
    %add3A_97 = vector.broadcast %add3A_96 : i32 to vector<16xi32>
    %add3A_98 = arith.addi %iota3A_94, %add3A_97 : vector<16xi32>
    %swap3A_99 = arith.constant 144 : index
    %swap3A_100 = tpu.vector_load %arg9[%swap3A_99] {strides = array<i32>} : memref<320xi32, #tpu.memory_space<vmem>>, vector<16xi32>,
    %swap3A_101 = vector.shape_cast %swap3A_100 : vector<16xi32> to vector<16xi32>
    %swap3A_102 = vector.shape_cast %add3A_98 : vector<16xi32> to vector<16xi32>
    tpu.vector_store %arg9[%swap3A_99], %swap3A_102 {strides = array<i32>} : memref<320xi32, #tpu.memory_space<vmem>>, vector<16xi32>,
    %iota3A_103 = tpu.iota {dimensions = array<i32: 0>} : vector<16xi32>
    %add3A_104 = arith.constant 160 : i32
    %add3A_105 = arith.addi %mul3A_14, %add3A_104 : i32
    %add3A_106 = vector.broadcast %add3A_105 : i32 to vector<16xi32>
    %add3A_107 = arith.addi %iota3A_103, %add3A_106 : vector<16xi32>
    %swap3A_108 = arith.constant 160 : index
    %swap3A_109 = tpu.vector_load %arg9[%swap3A_108] {strides = array<i32>} : memref<320xi32, #tpu.memory_space<vmem>>, vector<16xi32>,
    %swap3A_110 = vector.shape_cast %swap3A_109 : vector<16xi32> to vector<16xi32>
    %swap3A_111 = vector.shape_cast %add3A_107 : vector<16xi32> to vector<16xi32>
    tpu.vector_store %arg9[%swap3A_108], %swap3A_111 {strides = array<i32>} : memref<320xi32, #tpu.memory_space<vmem>>, vector<16xi32>,
    %iota3A_112 = tpu.iota {dimensions = array<i32: 0>} : vector<16xi32>
    %add3A_113 = arith.constant 176 : i32
    %add3A_114 = arith.addi %mul3A_14, %add3A_113 : i32
    %add3A_115 = vector.broadcast %add3A_114 : i32 to vector<16xi32>
    %add3A_116 = arith.addi %iota3A_112, %add3A_115 : vector<16xi32>
    %swap3A_117 = arith.constant 176 : index
    %swap3A_118 = tpu.vector_load %arg9[%swap3A_117] {strides = array<i32>} : memref<320xi32, #tpu.memory_space<vmem>>, vector<16xi32>,
    %swap3A_119 = vector.shape_cast %swap3A_118 : vector<16xi32> to vector<16xi32>
    %swap3A_120 = vector.shape_cast %add3A_116 : vector<16xi32> to vector<16xi32>
    tpu.vector_store %arg9[%swap3A_117], %swap3A_120 {strides = array<i32>} : memref<320xi32, #tpu.memory_space<vmem>>, vector<16xi32>,
    %iota3A_121 = tpu.iota {dimensions = array<i32: 0>} : vector<16xi32>
    %add3A_122 = arith.constant 192 : i32
    %add3A_123 = arith.addi %mul3A_14, %add3A_122 : i32
    %add3A_124 = vector.broadcast %add3A_123 : i32 to vector<16xi32>
    %add3A_125 = arith.addi %iota3A_121, %add3A_124 : vector<16xi32>
    %swap3A_126 = arith.constant 192 : index
    %swap3A_127 = tpu.vector_load %arg9[%swap3A_126] {strides = array<i32>} : memref<320xi32, #tpu.memory_space<vmem>>, vector<16xi32>,
    %swap3A_128 = vector.shape_cast %swap3A_127 : vector<16xi32> to vector<16xi32>
    %swap3A_129 = vector.shape_cast %add3A_125 : vector<16xi32> to vector<16xi32>
    tpu.vector_store %arg9[%swap3A_126], %swap3A_129 {strides = array<i32>} : memref<320xi32, #tpu.memory_space<vmem>>, vector<16xi32>,
    %iota3A_130 = tpu.iota {dimensions = array<i32: 0>} : vector<16xi32>
    %add3A_131 = arith.constant 208 : i32
    %add3A_132 = arith.addi %mul3A_14, %add3A_131 : i32
    %add3A_133 = vector.broadcast %add3A_132 : i32 to vector<16xi32>
    %add3A_134 = arith.addi %iota3A_130, %add3A_133 : vector<16xi32>
    %swap3A_135 = arith.constant 208 : index
    %swap3A_136 = tpu.vector_load %arg9[%swap3A_135] {strides = array<i32>} : memref<320xi32, #tpu.memory_space<vmem>>, vector<16xi32>,
    %swap3A_137 = vector.shape_cast %swap3A_136 : vector<16xi32> to vector<16xi32>
    %swap3A_138 = vector.shape_cast %add3A_134 : vector<16xi32> to vector<16xi32>
    tpu.vector_store %arg9[%swap3A_135], %swap3A_138 {strides = array<i32>} : memref<320xi32, #tpu.memory_space<vmem>>, vector<16xi32>,
    %iota3A_139 = tpu.iota {dimensions = array<i32: 0>} : vector<16xi32>
    %add3A_140 = arith.constant 224 : i32
    %add3A_141 = arith.addi %mul3A_14, %add3A_140 : i32
    %add3A_142 = vector.broadcast %add3A_141 : i32 to vector<16xi32>
    %add3A_143 = arith.addi %iota3A_139, %add3A_142 : vector<16xi32>
    %swap3A_144 = arith.constant 224 : index
    %swap3A_145 = tpu.vector_load %arg9[%swap3A_144] {strides = array<i32>} : memref<320xi32, #tpu.memory_space<vmem>>, vector<16xi32>,
    %swap3A_146 = vector.shape_cast %swap3A_145 : vector<16xi32> to vector<16xi32>
    %swap3A_147 = vector.shape_cast %add3A_143 : vector<16xi32> to vector<16xi32>
    tpu.vector_store %arg9[%swap3A_144], %swap3A_147 {strides = array<i32>} : memref<320xi32, #tpu.memory_space<vmem>>, vector<16xi32>,
    %iota3A_148 = tpu.iota {dimensions = array<i32: 0>} : vector<16xi32>
    %add3A_149 = arith.constant 240 : i32
    %add3A_150 = arith.addi %mul3A_14, %add3A_149 : i32
    %add3A_151 = vector.broadcast %add3A_150 : i32 to vector<16xi32>
    %add3A_152 = arith.addi %iota3A_148, %add3A_151 : vector<16xi32>
    %swap3A_153 = arith.constant 240 : index
    %swap3A_154 = tpu.vector_load %arg9[%swap3A_153] {strides = array<i32>} : memref<320xi32, #tpu.memory_space<vmem>>, vector<16xi32>,
    %swap3A_155 = vector.shape_cast %swap3A_154 : vector<16xi32> to vector<16xi32>
    %swap3A_156 = vector.shape_cast %add3A_152 : vector<16xi32> to vector<16xi32>
    tpu.vector_store %arg9[%swap3A_153], %swap3A_156 {strides = array<i32>} : memref<320xi32, #tpu.memory_space<vmem>>, vector<16xi32>,
    %iota3A_157 = tpu.iota {dimensions = array<i32: 0>} : vector<16xi32>
    %add3A_158 = arith.constant 256 : i32
    %add3A_159 = arith.addi %mul3A_14, %add3A_158 : i32
    %add3A_160 = vector.broadcast %add3A_159 : i32 to vector<16xi32>
    %add3A_161 = arith.addi %iota3A_157, %add3A_160 : vector<16xi32>
    %swap3A_162 = arith.constant 256 : index
    %swap3A_163 = tpu.vector_load %arg9[%swap3A_162] {strides = array<i32>} : memref<320xi32, #tpu.memory_space<vmem>>, vector<16xi32>,
    %swap3A_164 = vector.shape_cast %swap3A_163 : vector<16xi32> to vector<16xi32>
    %swap3A_165 = vector.shape_cast %add3A_161 : vector<16xi32> to vector<16xi32>
    tpu.vector_store %arg9[%swap3A_162], %swap3A_165 {strides = array<i32>} : memref<320xi32, #tpu.memory_space<vmem>>, vector<16xi32>,
    %iota3A_166 = tpu.iota {dimensions = array<i32: 0>} : vector<16xi32>
    %add3A_167 = arith.constant 272 : i32
    %add3A_168 = arith.addi %mul3A_14, %add3A_167 : i32
    %add3A_169 = vector.broadcast %add3A_168 : i32 to vector<16xi32>
    %add3A_170 = arith.addi %iota3A_166, %add3A_169 : vector<16xi32>
    %swap3A_171 = arith.constant 272 : index
    %swap3A_172 = tpu.vector_load %arg9[%swap3A_171] {strides = array<i32>} : memref<320xi32, #tpu.memory_space<vmem>>, vector<16xi32>,
    %swap3A_173 = vector.shape_cast %swap3A_172 : vector<16xi32> to vector<16xi32>
    %swap3A_174 = vector.shape_cast %add3A_170 : vector<16xi32> to vector<16xi32>
    tpu.vector_store %arg9[%swap3A_171], %swap3A_174 {strides = array<i32>} : memref<320xi32, #tpu.memory_space<vmem>>, vector<16xi32>,
    %iota3A_175 = tpu.iota {dimensions = array<i32: 0>} : vector<16xi32>
    %add3A_176 = arith.constant 288 : i32
    %add3A_177 = arith.addi %mul3A_14, %add3A_176 : i32
    %add3A_178 = vector.broadcast %add3A_177 : i32 to vector<16xi32>
    %add3A_179 = arith.addi %iota3A_175, %add3A_178 : vector<16xi32>
    %swap3A_180 = arith.constant 288 : index
    %swap3A_181 = tpu.vector_load %arg9[%swap3A_180] {strides = array<i32>} : memref<320xi32, #tpu.memory_space<vmem>>, vector<16xi32>,
    %swap3A_182 = vector.shape_cast %swap3A_181 : vector<16xi32> to vector<16xi32>
    %swap3A_183 = vector.shape_cast %add3A_179 : vector<16xi32> to vector<16xi32>
    tpu.vector_store %arg9[%swap3A_180], %swap3A_183 {strides = array<i32>} : memref<320xi32, #tpu.memory_space<vmem>>, vector<16xi32>,
    %iota3A_184 = tpu.iota {dimensions = array<i32: 0>} : vector<16xi32>
    %add3A_185 = arith.constant 304 : i32
    %add3A_186 = arith.addi %mul3A_14, %add3A_185 : i32
    %add3A_187 = vector.broadcast %add3A_186 : i32 to vector<16xi32>
    %add3A_188 = arith.addi %iota3A_184, %add3A_187 : vector<16xi32>
    %swap3A_189 = arith.constant 304 : index
    %swap3A_190 = tpu.vector_load %arg9[%swap3A_189] {strides = array<i32>} : memref<320xi32, #tpu.memory_space<vmem>>, vector<16xi32>,
    %swap3A_191 = vector.shape_cast %swap3A_190 : vector<16xi32> to vector<16xi32>
    %swap3A_192 = vector.shape_cast %add3A_188 : vector<16xi32> to vector<16xi32>
    tpu.vector_store %arg9[%swap3A_189], %swap3A_192 {strides = array<i32>} : memref<320xi32, #tpu.memory_space<vmem>>, vector<16xi32>,
    %barrier3A = arith.constant 0 : index
    tpu.barrier barrier_id(%barrier3A)
    %scan3A = arith.constant 0 : i32
    %scan3A_193 = arith.constant 0 : i32
    %scan3A_194 = arith.constant 125 : i32
    %scan3A_195 = arith.addi %scan3A_193, %scan3A_194 : i32
    %scan3A_196 = arith.constant 1 : i32
    scf.for %scan3A_247 = %scan3A_193 to %scan3A_195 step %scan3A_196  : i32 {
      %mul3A_248 = arith.constant 80 : i32
      %mul3A_249 = arith.muli %scan3A_247, %mul3A_248 : i32
      %dma_start3A_250 = arith.constant 0 : i32
      %dma_start3A_251 = arith.constant 0 : i32
      %dma_start3A_252 = tpu.memref_slice %arg8[%scan3A_247, %dma_start3A_250, %dma_start3A_251] : memref<125x80x8xf32, #tpu.memory_space<vmem>> -> memref<1x80x8xf32, #tpu.memory_space<vmem>>
      %dma_start3A_253 = tpu.memref_squeeze %dma_start3A_252 : memref<1x80x8xf32, #tpu.memory_space<vmem>> -> memref<80x8xf32, #tpu.memory_space<vmem>>
      %dma_start3A_254 = tpu.memref_slice %arg6[%mul3A_249] : memref<10000xi32, #tpu.memory_space<vmem>> -> memref<80xi32, #tpu.memory_space<vmem>>
      %dma_start3A_255 = arith.constant 0 : i32
      %dma_start3A_256 = arith.constant 0 : i32
      %dma_start3A_257 = tpu.memref_slice %arg12[%dma_start3A_255, %dma_start3A_256] : memref<10240x8xf32, #tpu.memory_space<vmem_shared>> -> memref<10240x8xf32, #tpu.memory_space<vmem_shared>>
      tpu.enqueue_indirect_dma source(%dma_start3A_257 : memref<10240x8xf32, #tpu.memory_space<vmem_shared>>) target(%dma_start3A_253 : memref<80x8xf32, #tpu.memory_space<vmem>>) offsets(%dma_start3A_254 : memref<80xi32, #tpu.memory_space<vmem>>) semaphore(%arg13 : memref<!tpu.dma_semaphore, #tpu.memory_space<semaphore_mem>>)
    }
    %scan3A_197 = arith.constant 125 : i32
    "tpu.region"() ({
      %run_scoped3A_247 = tpu.sem_alloc : memref<!tpu.dma_semaphore, #tpu.memory_space<semaphore_mem>>
      %dma_start3A_248 = arith.constant 0 : i32
      %dma_start3A_249 = tpu.memref_slice %arg12[%mul3A_14, %dma_start3A_248] : memref<10240x8xf32, #tpu.memory_space<vmem_shared>> -> memref<320x8xf32, #tpu.memory_space<vmem_shared>>
      %dma_start3A_250 = arith.constant 0 : i32
      %dma_start3A_251 = tpu.memref_slice %arg12[%mul3A_14, %dma_start3A_250] : memref<10240x8xf32, #tpu.memory_space<vmem_shared>> -> memref<320x8xf32, #tpu.memory_space<vmem_shared>>
      tpu.enqueue_dma source(%dma_start3A_251 : memref<320x8xf32, #tpu.memory_space<vmem_shared>>) target(%arg10 : memref<320x8xf32, #tpu.memory_space<vmem>>) target_semaphore(%run_scoped3A_247 : memref<!tpu.dma_semaphore, #tpu.memory_space<semaphore_mem>>)
      %dma_wait3A = arith.constant 0 : i32
      %dma_wait3A_252 = tpu.memref_slice %arg12[%mul3A_14, %dma_wait3A] : memref<10240x8xf32, #tpu.memory_space<vmem_shared>> -> memref<320x8xf32, #tpu.memory_space<vmem_shared>>
      %dma_wait3A_253 = arith.constant 0 : i32
      %dma_wait3A_254 = tpu.memref_slice %arg12[%mul3A_14, %dma_wait3A_253] : memref<10240x8xf32, #tpu.memory_space<vmem_shared>> -> memref<320x8xf32, #tpu.memory_space<vmem_shared>>
      tpu.wait_dma2 semaphore(%run_scoped3A_247 : memref<!tpu.dma_semaphore, #tpu.memory_space<semaphore_mem>>) src(%dma_wait3A_254 : memref<320x8xf32, #tpu.memory_space<vmem_shared>>) dst(%arg10 : memref<320x8xf32, #tpu.memory_space<vmem>>)
      tpu.yield
    }) : () -> ()
    %dma_start3A = arith.constant 0 : i32
    %dma_start3A_198 = arith.constant 0 : i32
    %dma_start3A_199 = tpu.memref_slice %arg10[%dma_start3A, %dma_start3A_198] : memref<320x8xf32, #tpu.memory_space<vmem>> -> memref<80x8xf32, #tpu.memory_space<vmem>>
    %dma_start3A_200 = arith.constant 0 : i32
    %dma_start3A_201 = tpu.memref_slice %arg9[%dma_start3A_200] : memref<320xi32, #tpu.memory_space<vmem>> -> memref<80xi32, #tpu.memory_space<vmem>>
    %dma_start3A_202 = arith.constant 0 : i32
    %dma_start3A_203 = arith.constant 0 : i32
    %dma_start3A_204 = tpu.memref_slice %arg11[%dma_start3A_202, %dma_start3A_203] : memref<10240x8xf32, #tpu.memory_space<vmem_shared>> -> memref<10240x8xf32, #tpu.memory_space<vmem_shared>>
    tpu.enqueue_indirect_dma source(%dma_start3A_199 : memref<80x8xf32, #tpu.memory_space<vmem>>) target(%dma_start3A_204 : memref<10240x8xf32, #tpu.memory_space<vmem_shared>>) offsets(%dma_start3A_201 : memref<80xi32, #tpu.memory_space<vmem>>) semaphore(%arg14 : memref<!tpu.dma_semaphore, #tpu.memory_space<semaphore_mem>>) {add = true}
    %dma_start3A_205 = arith.constant 80 : i32
    %dma_start3A_206 = arith.constant 0 : i32
    %dma_start3A_207 = tpu.memref_slice %arg10[%dma_start3A_205, %dma_start3A_206] : memref<320x8xf32, #tpu.memory_space<vmem>> -> memref<80x8xf32, #tpu.memory_space<vmem>>
    %dma_start3A_208 = arith.constant 80 : i32
    %dma_start3A_209 = tpu.memref_slice %arg9[%dma_start3A_208] : memref<320xi32, #tpu.memory_space<vmem>> -> memref<80xi32, #tpu.memory_space<vmem>>
    %dma_start3A_210 = arith.constant 0 : i32
    %dma_start3A_211 = arith.constant 0 : i32
    %dma_start3A_212 = tpu.memref_slice %arg11[%dma_start3A_210, %dma_start3A_211] : memref<10240x8xf32, #tpu.memory_space<vmem_shared>> -> memref<10240x8xf32, #tpu.memory_space<vmem_shared>>
    tpu.enqueue_indirect_dma source(%dma_start3A_207 : memref<80x8xf32, #tpu.memory_space<vmem>>) target(%dma_start3A_212 : memref<10240x8xf32, #tpu.memory_space<vmem_shared>>) offsets(%dma_start3A_209 : memref<80xi32, #tpu.memory_space<vmem>>) semaphore(%arg14 : memref<!tpu.dma_semaphore, #tpu.memory_space<semaphore_mem>>) {add = true}
    %dma_start3A_213 = arith.constant 160 : i32
    %dma_start3A_214 = arith.constant 0 : i32
    %dma_start3A_215 = tpu.memref_slice %arg10[%dma_start3A_213, %dma_start3A_214] : memref<320x8xf32, #tpu.memory_space<vmem>> -> memref<80x8xf32, #tpu.memory_space<vmem>>
    %dma_start3A_216 = arith.constant 160 : i32
    %dma_start3A_217 = tpu.memref_slice %arg9[%dma_start3A_216] : memref<320xi32, #tpu.memory_space<vmem>> -> memref<80xi32, #tpu.memory_space<vmem>>
    %dma_start3A_218 = arith.constant 0 : i32
    %dma_start3A_219 = arith.constant 0 : i32
    %dma_start3A_220 = tpu.memref_slice %arg11[%dma_start3A_218, %dma_start3A_219] : memref<10240x8xf32, #tpu.memory_space<vmem_shared>> -> memref<10240x8xf32, #tpu.memory_space<vmem_shared>>
    tpu.enqueue_indirect_dma source(%dma_start3A_215 : memref<80x8xf32, #tpu.memory_space<vmem>>) target(%dma_start3A_220 : memref<10240x8xf32, #tpu.memory_space<vmem_shared>>) offsets(%dma_start3A_217 : memref<80xi32, #tpu.memory_space<vmem>>) semaphore(%arg14 : memref<!tpu.dma_semaphore, #tpu.memory_space<semaphore_mem>>) {add = true}
    %dma_start3A_221 = arith.constant 240 : i32
    %dma_start3A_222 = arith.constant 0 : i32
    %dma_start3A_223 = tpu.memref_slice %arg10[%dma_start3A_221, %dma_start3A_222] : memref<320x8xf32, #tpu.memory_space<vmem>> -> memref<80x8xf32, #tpu.memory_space<vmem>>
    %dma_start3A_224 = arith.constant 240 : i32
    %dma_start3A_225 = tpu.memref_slice %arg9[%dma_start3A_224] : memref<320xi32, #tpu.memory_space<vmem>> -> memref<80xi32, #tpu.memory_space<vmem>>
    %dma_start3A_226 = arith.constant 0 : i32
    %dma_start3A_227 = arith.constant 0 : i32
    %dma_start3A_228 = tpu.memref_slice %arg11[%dma_start3A_226, %dma_start3A_227] : memref<10240x8xf32, #tpu.memory_space<vmem_shared>> -> memref<10240x8xf32, #tpu.memory_space<vmem_shared>>
    tpu.enqueue_indirect_dma source(%dma_start3A_223 : memref<80x8xf32, #tpu.memory_space<vmem>>) target(%dma_start3A_228 : memref<10240x8xf32, #tpu.memory_space<vmem_shared>>) offsets(%dma_start3A_225 : memref<80xi32, #tpu.memory_space<vmem>>) semaphore(%arg14 : memref<!tpu.dma_semaphore, #tpu.memory_space<semaphore_mem>>) {add = true}
    %scan3A_229 = arith.constant 0 : i32
    %scan3A_230 = arith.constant 0 : i32
    %scan3A_231 = arith.constant 125 : i32
    %scan3A_232 = arith.addi %scan3A_230, %scan3A_231 : i32
    %scan3A_233 = arith.constant 1 : i32
    scf.for %scan3A_247 = %scan3A_230 to %scan3A_232 step %scan3A_233  : i32 {
      %dma_wait3A = arith.constant 0 : i32
      %dma_wait3A_248 = arith.constant 0 : i32
      %dma_wait3A_249 = tpu.memref_slice %arg8[%scan3A_247, %dma_wait3A, %dma_wait3A_248] : memref<125x80x8xf32, #tpu.memory_space<vmem>> -> memref<1x80x8xf32, #tpu.memory_space<vmem>>
      %dma_wait3A_250 = tpu.memref_squeeze %dma_wait3A_249 : memref<1x80x8xf32, #tpu.memory_space<vmem>> -> memref<80x8xf32, #tpu.memory_space<vmem>>
      %dma_wait3A_251 = arith.constant 0 : i32
      %dma_wait3A_252 = arith.constant 0 : i32
      %dma_wait3A_253 = tpu.memref_slice %arg2[%dma_wait3A_251, %dma_wait3A_252] : memref<10240x8xf32, #tpu.memory_space<hbm>> -> memref<80x8xf32, #tpu.memory_space<hbm>>
      %dma_wait3A_254 = arith.constant 0 : i32
      %dma_wait3A_255 = arith.constant 0 : i32
      %dma_wait3A_256 = tpu.memref_slice %arg8[%scan3A_247, %dma_wait3A_254, %dma_wait3A_255] : memref<125x80x8xf32, #tpu.memory_space<vmem>> -> memref<1x80x8xf32, #tpu.memory_space<vmem>>
      %dma_wait3A_257 = tpu.memref_squeeze %dma_wait3A_256 : memref<1x80x8xf32, #tpu.memory_space<vmem>> -> memref<80x8xf32, #tpu.memory_space<vmem>>
      %dma_wait3A_258 = arith.constant 0 : i32
      %dma_wait3A_259 = arith.constant 0 : i32
      %dma_wait3A_260 = tpu.memref_slice %arg2[%dma_wait3A_258, %dma_wait3A_259] : memref<10240x8xf32, #tpu.memory_space<hbm>> -> memref<80x8xf32, #tpu.memory_space<hbm>>
      tpu.wait_dma2 semaphore(%arg13 : memref<!tpu.dma_semaphore, #tpu.memory_space<semaphore_mem>>) src(%dma_wait3A_260 : memref<80x8xf32, #tpu.memory_space<hbm>>) dst(%dma_wait3A_257 : memref<80x8xf32, #tpu.memory_space<vmem>>)
      %mul3A_261 = arith.constant 80 : i32
      %mul3A_262 = arith.muli %scan3A_247, %mul3A_261 : i32
      %dma_start3A_263 = arith.constant 0 : i32
      %dma_start3A_264 = arith.constant 0 : i32
      %dma_start3A_265 = tpu.memref_slice %arg8[%scan3A_247, %dma_start3A_263, %dma_start3A_264] : memref<125x80x8xf32, #tpu.memory_space<vmem>> -> memref<1x80x8xf32, #tpu.memory_space<vmem>>
      %dma_start3A_266 = tpu.memref_squeeze %dma_start3A_265 : memref<1x80x8xf32, #tpu.memory_space<vmem>> -> memref<80x8xf32, #tpu.memory_space<vmem>>
      %dma_start3A_267 = tpu.memref_slice %arg7[%mul3A_262] : memref<10000xi32, #tpu.memory_space<vmem>> -> memref<80xi32, #tpu.memory_space<vmem>>
      %dma_start3A_268 = arith.constant 0 : i32
      %dma_start3A_269 = arith.constant 0 : i32
      %dma_start3A_270 = tpu.memref_slice %arg11[%dma_start3A_268, %dma_start3A_269] : memref<10240x8xf32, #tpu.memory_space<vmem_shared>> -> memref<10240x8xf32, #tpu.memory_space<vmem_shared>>
      tpu.enqueue_indirect_dma source(%dma_start3A_266 : memref<80x8xf32, #tpu.memory_space<vmem>>) target(%dma_start3A_270 : memref<10240x8xf32, #tpu.memory_space<vmem_shared>>) offsets(%dma_start3A_267 : memref<80xi32, #tpu.memory_space<vmem>>) semaphore(%arg14 : memref<!tpu.dma_semaphore, #tpu.memory_space<semaphore_mem>>) {add = true}
    }
    %scan3A_234 = arith.constant 125 : i32
    %scan3A_235 = arith.constant 0 : i32
    %scan3A_236 = arith.constant 0 : i32
    %scan3A_237 = arith.constant 129 : i32
    %scan3A_238 = arith.addi %scan3A_236, %scan3A_237 : i32
    %scan3A_239 = arith.constant 1 : i32
    scf.for %scan3A_247 = %scan3A_236 to %scan3A_238 step %scan3A_239  : i32 {
      %dma_wait3A = arith.constant 0 : i32
      %dma_wait3A_248 = arith.constant 0 : i32
      %dma_wait3A_249 = arith.constant 0 : i32
      %dma_wait3A_250 = tpu.memref_slice %arg8[%dma_wait3A, %dma_wait3A_248, %dma_wait3A_249] : memref<125x80x8xf32, #tpu.memory_space<vmem>> -> memref<1x80x8xf32, #tpu.memory_space<vmem>>
      %dma_wait3A_251 = tpu.memref_squeeze %dma_wait3A_250 : memref<1x80x8xf32, #tpu.memory_space<vmem>> -> memref<80x8xf32, #tpu.memory_space<vmem>>
      %dma_wait3A_252 = arith.constant 0 : i32
      %dma_wait3A_253 = arith.constant 0 : i32
      %dma_wait3A_254 = tpu.memref_slice %arg2[%dma_wait3A_252, %dma_wait3A_253] : memref<10240x8xf32, #tpu.memory_space<hbm>> -> memref<80x8xf32, #tpu.memory_space<hbm>>
      %dma_wait3A_255 = arith.constant 0 : i32
      %dma_wait3A_256 = arith.constant 0 : i32
      %dma_wait3A_257 = tpu.memref_slice %arg8[%dma_wait3A, %dma_wait3A_255, %dma_wait3A_256] : memref<125x80x8xf32, #tpu.memory_space<vmem>> -> memref<1x80x8xf32, #tpu.memory_space<vmem>>
      %dma_wait3A_258 = tpu.memref_squeeze %dma_wait3A_257 : memref<1x80x8xf32, #tpu.memory_space<vmem>> -> memref<80x8xf32, #tpu.memory_space<vmem>>
      %dma_wait3A_259 = arith.constant 0 : i32
      %dma_wait3A_260 = arith.constant 0 : i32
      %dma_wait3A_261 = tpu.memref_slice %arg2[%dma_wait3A_259, %dma_wait3A_260] : memref<10240x8xf32, #tpu.memory_space<hbm>> -> memref<80x8xf32, #tpu.memory_space<hbm>>
      tpu.wait_dma2 semaphore(%arg14 : memref<!tpu.dma_semaphore, #tpu.memory_space<semaphore_mem>>) src(%dma_wait3A_261 : memref<80x8xf32, #tpu.memory_space<hbm>>) dst(%dma_wait3A_258 : memref<80x8xf32, #tpu.memory_space<vmem>>)
    }
    %scan3A_240 = arith.constant 129 : i32
    %barrier3A_241 = arith.constant 0 : index
    tpu.barrier barrier_id(%barrier3A_241)
    %eq3A_242 = arith.constant 0 : i32
    %eq3A_243 = arith.cmpi eq, %arg1, %eq3A_242 : i32
    %convert_element_type3A_244 = arith.extui %eq3A_243 : i1 to i32
    %cond3A_245 = arith.constant 0 : i32
    %cond3A_246 = arith.cmpi ne, %convert_element_type3A_244, %cond3A_245 : i32
    scf.if %cond3A_246 {
      "tpu.region"() ({
        %run_scoped3A_247 = tpu.sem_alloc : memref<!tpu.dma_semaphore, #tpu.memory_space<semaphore_mem>>
        %dma_start3A_248 = arith.constant 0 : i32
        %dma_start3A_249 = arith.constant 0 : i32
        %dma_start3A_250 = tpu.memref_slice %arg5[%arg0, %dma_start3A_248, %dma_start3A_249] : memref<2x10240x8xf32, #tpu.memory_space<hbm>> -> memref<1x10240x8xf32, #tpu.memory_space<hbm>>
        %dma_start3A_251 = tpu.memref_squeeze %dma_start3A_250 : memref<1x10240x8xf32, #tpu.memory_space<hbm>> -> memref<10240x8xf32, #tpu.memory_space<hbm>>
        tpu.enqueue_dma source(%arg11 : memref<10240x8xf32, #tpu.memory_space<vmem_shared>>) target(%dma_start3A_251 : memref<10240x8xf32, #tpu.memory_space<hbm>>) target_semaphore(%run_scoped3A_247 : memref<!tpu.dma_semaphore, #tpu.memory_space<semaphore_mem>>)
        %dma_wait3A = arith.constant 0 : i32
        %dma_wait3A_252 = arith.constant 0 : i32
        %dma_wait3A_253 = tpu.memref_slice %arg5[%arg0, %dma_wait3A, %dma_wait3A_252] : memref<2x10240x8xf32, #tpu.memory_space<hbm>> -> memref<1x10240x8xf32, #tpu.memory_space<hbm>>
        %dma_wait3A_254 = tpu.memref_squeeze %dma_wait3A_253 : memref<1x10240x8xf32, #tpu.memory_space<hbm>> -> memref<10240x8xf32, #tpu.memory_space<hbm>>
        tpu.wait_dma2 semaphore(%run_scoped3A_247 : memref<!tpu.dma_semaphore, #tpu.memory_space<semaphore_mem>>) src(%arg11 : memref<10240x8xf32, #tpu.memory_space<vmem_shared>>) dst(%dma_wait3A_254 : memref<10240x8xf32, #tpu.memory_space<hbm>>)
        tpu.yield
      }) : () -> ()
    } else {
    }
    return
  }
}

#map = affine_map<(d0, d1) -> (0, 0)>
#map1 = affine_map<(d0, d1) -> (0)>
module attributes {stable_mosaic.version = 14 : i64} {
  func.func @_deg_body(%arg0: i32, %arg1: i32, %arg2: memref<2x320000xi32, #tpu.memory_space<hbm>>, %arg3: memref<10240xf32, #tpu.memory_space<hbm>>, %arg4: memref<80xf32, #tpu.memory_space<hbm>>, %arg5: memref<2x10240xf32, #tpu.memory_space<hbm>>, %arg6: memref<10000xi32, #tpu.memory_space<vmem>>, %arg7: memref<80xf32, #tpu.memory_space<vmem>>, %arg8: memref<10240xf32, #tpu.memory_space<vmem_shared>>, %arg9: memref<!tpu.dma_semaphore, #tpu.memory_space<semaphore_mem>>) attributes {dimension_semantics = [#tpu.dimension_semantics<core_parallel>, #tpu.dimension_semantics<subcore_parallel>], iteration_bounds = array<i64: 2, 16>, scalar_prefetch = 0 : i64, scratch_operands = 4 : i64, tpu.core_type = #tpu.core_type<sc_vector_subcore>, window_params = [{transform_indices = #map}, {transform_indices = #map1}, {transform_indices = #map1}, {transform_indices = #map}]} {
    %mul3A = arith.constant 16 : i32
    %mul3A_0 = arith.muli %arg0, %mul3A : i32
    %add3A = arith.addi %mul3A_0, %arg1 : i32
    %eq3A = arith.constant 0 : i32
    %eq3A_1 = arith.cmpi eq, %arg1, %eq3A : i32
    %convert_element_type3A = arith.extui %eq3A_1 : i1 to i32
    %cond3A = arith.constant 0 : i32
    %cond3A_2 = arith.cmpi ne, %convert_element_type3A, %cond3A : i32
    scf.if %cond3A_2 {
      "tpu.region"() ({
        %run_scoped3A_22 = tpu.sem_alloc : memref<!tpu.dma_semaphore, #tpu.memory_space<semaphore_mem>>
        tpu.enqueue_dma source(%arg3 : memref<10240xf32, #tpu.memory_space<hbm>>) target(%arg8 : memref<10240xf32, #tpu.memory_space<vmem_shared>>) target_semaphore(%run_scoped3A_22 : memref<!tpu.dma_semaphore, #tpu.memory_space<semaphore_mem>>)
        tpu.wait_dma2 semaphore(%run_scoped3A_22 : memref<!tpu.dma_semaphore, #tpu.memory_space<semaphore_mem>>) src(%arg3 : memref<10240xf32, #tpu.memory_space<hbm>>) dst(%arg8 : memref<10240xf32, #tpu.memory_space<vmem_shared>>)
        tpu.yield
      }) : () -> ()
    } else {
    }
    "tpu.region"() ({
      %run_scoped3A_22 = tpu.sem_alloc : memref<!tpu.dma_semaphore, #tpu.memory_space<semaphore_mem>>
      tpu.enqueue_dma source(%arg4 : memref<80xf32, #tpu.memory_space<hbm>>) target(%arg7 : memref<80xf32, #tpu.memory_space<vmem>>) target_semaphore(%run_scoped3A_22 : memref<!tpu.dma_semaphore, #tpu.memory_space<semaphore_mem>>)
      tpu.wait_dma2 semaphore(%run_scoped3A_22 : memref<!tpu.dma_semaphore, #tpu.memory_space<semaphore_mem>>) src(%arg4 : memref<80xf32, #tpu.memory_space<hbm>>) dst(%arg7 : memref<80xf32, #tpu.memory_space<vmem>>)
      tpu.yield
    }) : () -> ()
    %mul3A_3 = arith.constant 10000 : i32
    %mul3A_4 = arith.muli %add3A, %mul3A_3 : i32
    %run_scoped3A = arith.constant 1 : i32
    "tpu.region"() ({
      %run_scoped3A_22 = tpu.sem_alloc : memref<!tpu.dma_semaphore, #tpu.memory_space<semaphore_mem>>
      %dma_start3A = tpu.memref_slice %arg2[%run_scoped3A, %mul3A_4] : memref<2x320000xi32, #tpu.memory_space<hbm>> -> memref<1x10000xi32, #tpu.memory_space<hbm>>
      %dma_start3A_23 = tpu.memref_squeeze %dma_start3A : memref<1x10000xi32, #tpu.memory_space<hbm>> -> memref<10000xi32, #tpu.memory_space<hbm>>
      %dma_start3A_24 = tpu.memref_slice %arg2[%run_scoped3A, %mul3A_4] : memref<2x320000xi32, #tpu.memory_space<hbm>> -> memref<1x10000xi32, #tpu.memory_space<hbm>>
      %dma_start3A_25 = tpu.memref_squeeze %dma_start3A_24 : memref<1x10000xi32, #tpu.memory_space<hbm>> -> memref<10000xi32, #tpu.memory_space<hbm>>
      tpu.enqueue_dma source(%dma_start3A_25 : memref<10000xi32, #tpu.memory_space<hbm>>) target(%arg6 : memref<10000xi32, #tpu.memory_space<vmem>>) target_semaphore(%run_scoped3A_22 : memref<!tpu.dma_semaphore, #tpu.memory_space<semaphore_mem>>)
      %dma_wait3A = tpu.memref_slice %arg2[%run_scoped3A, %mul3A_4] : memref<2x320000xi32, #tpu.memory_space<hbm>> -> memref<1x10000xi32, #tpu.memory_space<hbm>>
      %dma_wait3A_26 = tpu.memref_squeeze %dma_wait3A : memref<1x10000xi32, #tpu.memory_space<hbm>> -> memref<10000xi32, #tpu.memory_space<hbm>>
      %dma_wait3A_27 = tpu.memref_slice %arg2[%run_scoped3A, %mul3A_4] : memref<2x320000xi32, #tpu.memory_space<hbm>> -> memref<1x10000xi32, #tpu.memory_space<hbm>>
      %dma_wait3A_28 = tpu.memref_squeeze %dma_wait3A_27 : memref<1x10000xi32, #tpu.memory_space<hbm>> -> memref<10000xi32, #tpu.memory_space<hbm>>
      tpu.wait_dma2 semaphore(%run_scoped3A_22 : memref<!tpu.dma_semaphore, #tpu.memory_space<semaphore_mem>>) src(%dma_wait3A_28 : memref<10000xi32, #tpu.memory_space<hbm>>) dst(%arg6 : memref<10000xi32, #tpu.memory_space<vmem>>)
      tpu.yield
    }) : () -> ()
    %barrier3A = arith.constant 0 : index
    tpu.barrier barrier_id(%barrier3A)
    %scan3A = arith.constant 0 : i32
    %scan3A_5 = arith.constant 0 : i32
    %scan3A_6 = arith.constant 125 : i32
    %scan3A_7 = arith.addi %scan3A_5, %scan3A_6 : i32
    %scan3A_8 = arith.constant 1 : i32
    scf.for %scan3A_22 = %scan3A_5 to %scan3A_7 step %scan3A_8  : i32 {
      %mul3A_23 = arith.constant 80 : i32
      %mul3A_24 = arith.muli %scan3A_22, %mul3A_23 : i32
      %dma_start3A = tpu.memref_slice %arg6[%mul3A_24] : memref<10000xi32, #tpu.memory_space<vmem>> -> memref<80xi32, #tpu.memory_space<vmem>>
      %dma_start3A_25 = arith.constant 0 : i32
      %dma_start3A_26 = tpu.memref_slice %arg8[%dma_start3A_25] : memref<10240xf32, #tpu.memory_space<vmem_shared>> -> memref<10240xf32, #tpu.memory_space<vmem_shared>>
      tpu.enqueue_indirect_dma source(%arg7 : memref<80xf32, #tpu.memory_space<vmem>>) target(%dma_start3A_26 : memref<10240xf32, #tpu.memory_space<vmem_shared>>) offsets(%dma_start3A : memref<80xi32, #tpu.memory_space<vmem>>) semaphore(%arg9 : memref<!tpu.dma_semaphore, #tpu.memory_space<semaphore_mem>>) {add = true}
    }
    %scan3A_9 = arith.constant 125 : i32
    %scan3A_10 = arith.constant 0 : i32
    %scan3A_11 = arith.constant 0 : i32
    %scan3A_12 = arith.constant 125 : i32
    %scan3A_13 = arith.addi %scan3A_11, %scan3A_12 : i32
    %scan3A_14 = arith.constant 1 : i32
    scf.for %scan3A_22 = %scan3A_11 to %scan3A_13 step %scan3A_14  : i32 {
      tpu.wait_dma2 semaphore(%arg9 : memref<!tpu.dma_semaphore, #tpu.memory_space<semaphore_mem>>) src(%arg4 : memref<80xf32, #tpu.memory_space<hbm>>) dst(%arg7 : memref<80xf32, #tpu.memory_space<vmem>>)
    }
    %scan3A_15 = arith.constant 125 : i32
    %barrier3A_16 = arith.constant 0 : index
    tpu.barrier barrier_id(%barrier3A_16)
    %eq3A_17 = arith.constant 0 : i32
    %eq3A_18 = arith.cmpi eq, %arg1, %eq3A_17 : i32
    %convert_element_type3A_19 = arith.extui %eq3A_18 : i1 to i32
    %cond3A_20 = arith.constant 0 : i32
    %cond3A_21 = arith.cmpi ne, %convert_element_type3A_19, %cond3A_20 : i32
    scf.if %cond3A_21 {
      "tpu.region"() ({
        %run_scoped3A_22 = tpu.sem_alloc : memref<!tpu.dma_semaphore, #tpu.memory_space<semaphore_mem>>
        %dma_start3A = arith.constant 0 : i32
        %dma_start3A_23 = tpu.memref_slice %arg5[%arg0, %dma_start3A] : memref<2x10240xf32, #tpu.memory_space<hbm>> -> memref<1x10240xf32, #tpu.memory_space<hbm>>
        %dma_start3A_24 = tpu.memref_squeeze %dma_start3A_23 : memref<1x10240xf32, #tpu.memory_space<hbm>> -> memref<10240xf32, #tpu.memory_space<hbm>>
        tpu.enqueue_dma source(%arg8 : memref<10240xf32, #tpu.memory_space<vmem_shared>>) target(%dma_start3A_24 : memref<10240xf32, #tpu.memory_space<hbm>>) target_semaphore(%run_scoped3A_22 : memref<!tpu.dma_semaphore, #tpu.memory_space<semaphore_mem>>)
        %dma_wait3A = arith.constant 0 : i32
        %dma_wait3A_25 = tpu.memref_slice %arg5[%arg0, %dma_wait3A] : memref<2x10240xf32, #tpu.memory_space<hbm>> -> memref<1x10240xf32, #tpu.memory_space<hbm>>
        %dma_wait3A_26 = tpu.memref_squeeze %dma_wait3A_25 : memref<1x10240xf32, #tpu.memory_space<hbm>> -> memref<10240xf32, #tpu.memory_space<hbm>>
        tpu.wait_dma2 semaphore(%run_scoped3A_22 : memref<!tpu.dma_semaphore, #tpu.memory_space<semaphore_mem>>) src(%arg8 : memref<10240xf32, #tpu.memory_space<vmem_shared>>) dst(%dma_wait3A_26 : memref<10240xf32, #tpu.memory_space<hbm>>)
        tpu.yield
      }) : () -> ()
    } else {
    }
    return
  }
}

#map = affine_map<(d0, d1) -> (0, 0)>
#map1 = affine_map<(d0, d1) -> (0, 0, 0)>
module attributes {stable_mosaic.version = 14 : i64} {
  func.func @_agg_body(%arg0: i32, %arg1: i32, %arg2: memref<10240x8xf32, #tpu.memory_space<hbm>>, %arg3: memref<2x320000xi32, #tpu.memory_space<hbm>>, %arg4: memref<10240x8xf32, #tpu.memory_space<hbm>>, %arg5: memref<2x10240x8xf32, #tpu.memory_space<hbm>>, %arg6: memref<10000xi32, #tpu.memory_space<vmem>>, %arg7: memref<10000xi32, #tpu.memory_space<vmem>>, %arg8: memref<125x80x8xf32, #tpu.memory_space<vmem>>, %arg9: memref<320xi32, #tpu.memory_space<vmem>>, %arg10: memref<320x8xf32, #tpu.memory_space<vmem>>, %arg11: memref<10240x8xf32, #tpu.memory_space<vmem_shared>>, %arg12: memref<10240x8xf32, #tpu.memory_space<vmem_shared>>, %arg13: memref<!tpu.dma_semaphore, #tpu.memory_space<semaphore_mem>>, %arg14: memref<!tpu.dma_semaphore, #tpu.memory_space<semaphore_mem>>) attributes {dimension_semantics = [#tpu.dimension_semantics<core_parallel>, #tpu.dimension_semantics<subcore_parallel>], iteration_bounds = array<i64: 2, 16>, scalar_prefetch = 0 : i64, scratch_operands = 9 : i64, tpu.core_type = #tpu.core_type<sc_vector_subcore>, window_params = [{transform_indices = #map}, {transform_indices = #map}, {transform_indices = #map}, {transform_indices = #map1}]} {
    %mul3A = arith.constant 16 : i32
    %mul3A_0 = arith.muli %arg0, %mul3A : i32
    %add3A = arith.addi %mul3A_0, %arg1 : i32
    %eq3A = arith.constant 0 : i32
    %eq3A_1 = arith.cmpi eq, %arg1, %eq3A : i32
    %convert_element_type3A = arith.extui %eq3A_1 : i1 to i32
    %cond3A = arith.constant 0 : i32
    %cond3A_2 = arith.cmpi ne, %convert_element_type3A, %cond3A : i32
    scf.if %cond3A_2 {
      "tpu.region"() ({
        %run_scoped3A_247 = tpu.sem_alloc : memref<!tpu.dma_semaphore, #tpu.memory_space<semaphore_mem>>
        tpu.enqueue_dma source(%arg4 : memref<10240x8xf32, #tpu.memory_space<hbm>>) target(%arg11 : memref<10240x8xf32, #tpu.memory_space<vmem_shared>>) target_semaphore(%run_scoped3A_247 : memref<!tpu.dma_semaphore, #tpu.memory_space<semaphore_mem>>)
        tpu.wait_dma2 semaphore(%run_scoped3A_247 : memref<!tpu.dma_semaphore, #tpu.memory_space<semaphore_mem>>) src(%arg4 : memref<10240x8xf32, #tpu.memory_space<hbm>>) dst(%arg11 : memref<10240x8xf32, #tpu.memory_space<vmem_shared>>)
        tpu.yield
      }) : () -> ()
    } else {
    }
    %eq3A_3 = arith.constant 1 : i32
    %eq3A_4 = arith.cmpi eq, %arg1, %eq3A_3 : i32
    %convert_element_type3A_5 = arith.extui %eq3A_4 : i1 to i32
    %cond3A_6 = arith.constant 0 : i32
    %cond3A_7 = arith.cmpi ne, %convert_element_type3A_5, %cond3A_6 : i32
    scf.if %cond3A_7 {
      "tpu.region"() ({
        %run_scoped3A_247 = tpu.sem_alloc : memref<!tpu.dma_semaphore, #tpu.memory_space<semaphore_mem>>
        tpu.enqueue_dma source(%arg2 : memref<10240x8xf32, #tpu.memory_space<hbm>>) target(%arg12 : memref<10240x8xf32, #tpu.memory_space<vmem_shared>>) target_semaphore(%run_scoped3A_247 : memref<!tpu.dma_semaphore, #tpu.memory_space<semaphore_mem>>)
        tpu.wait_dma2 semaphore(%run_scoped3A_247 : memref<!tpu.dma_semaphore, #tpu.memory_space<semaphore_mem>>) src(%arg2 : memref<10240x8xf32, #tpu.memory_space<hbm>>) dst(%arg12 : memref<10240x8xf32, #tpu.memory_space<vmem_shared>>)
        tpu.yield
      }) : () -> ()
    } else {
    }
    %mul3A_8 = arith.constant 10000 : i32
    %mul3A_9 = arith.muli %add3A, %mul3A_8 : i32
    %run_scoped3A = arith.constant 0 : i32
    "tpu.region"() ({
      %run_scoped3A_247 = tpu.sem_alloc : memref<!tpu.dma_semaphore, #tpu.memory_space<semaphore_mem>>
      %dma_start3A_248 = tpu.memref_slice %arg3[%run_scoped3A, %mul3A_9] : memref<2x320000xi32, #tpu.memory_space<hbm>> -> memref<1x10000xi32, #tpu.memory_space<hbm>>
      %dma_start3A_249 = tpu.memref_squeeze %dma_start3A_248 : memref<1x10000xi32, #tpu.memory_space<hbm>> -> memref<10000xi32, #tpu.memory_space<hbm>>
      %dma_start3A_250 = tpu.memref_slice %arg3[%run_scoped3A, %mul3A_9] : memref<2x320000xi32, #tpu.memory_space<hbm>> -> memref<1x10000xi32, #tpu.memory_space<hbm>>
      %dma_start3A_251 = tpu.memref_squeeze %dma_start3A_250 : memref<1x10000xi32, #tpu.memory_space<hbm>> -> memref<10000xi32, #tpu.memory_space<hbm>>
      tpu.enqueue_dma source(%dma_start3A_251 : memref<10000xi32, #tpu.memory_space<hbm>>) target(%arg6 : memref<10000xi32, #tpu.memory_space<vmem>>) target_semaphore(%run_scoped3A_247 : memref<!tpu.dma_semaphore, #tpu.memory_space<semaphore_mem>>)
      %dma_wait3A = tpu.memref_slice %arg3[%run_scoped3A, %mul3A_9] : memref<2x320000xi32, #tpu.memory_space<hbm>> -> memref<1x10000xi32, #tpu.memory_space<hbm>>
      %dma_wait3A_252 = tpu.memref_squeeze %dma_wait3A : memref<1x10000xi32, #tpu.memory_space<hbm>> -> memref<10000xi32, #tpu.memory_space<hbm>>
      %dma_wait3A_253 = tpu.memref_slice %arg3[%run_scoped3A, %mul3A_9] : memref<2x320000xi32, #tpu.memory_space<hbm>> -> memref<1x10000xi32, #tpu.memory_space<hbm>>
      %dma_wait3A_254 = tpu.memref_squeeze %dma_wait3A_253 : memref<1x10000xi32, #tpu.memory_space<hbm>> -> memref<10000xi32, #tpu.memory_space<hbm>>
      tpu.wait_dma2 semaphore(%run_scoped3A_247 : memref<!tpu.dma_semaphore, #tpu.memory_space<semaphore_mem>>) src(%dma_wait3A_254 : memref<10000xi32, #tpu.memory_space<hbm>>) dst(%arg6 : memref<10000xi32, #tpu.memory_space<vmem>>)
      tpu.yield
    }) : () -> ()
    %mul3A_10 = arith.constant 10000 : i32
    %mul3A_11 = arith.muli %add3A, %mul3A_10 : i32
    %run_scoped3A_12 = arith.constant 1 : i32
    "tpu.region"() ({
      %run_scoped3A_247 = tpu.sem_alloc : memref<!tpu.dma_semaphore, #tpu.memory_space<semaphore_mem>>
      %dma_start3A_248 = tpu.memref_slice %arg3[%run_scoped3A_12, %mul3A_11] : memref<2x320000xi32, #tpu.memory_space<hbm>> -> memref<1x10000xi32, #tpu.memory_space<hbm>>
      %dma_start3A_249 = tpu.memref_squeeze %dma_start3A_248 : memref<1x10000xi32, #tpu.memory_space<hbm>> -> memref<10000xi32, #tpu.memory_space<hbm>>
      %dma_start3A_250 = tpu.memref_slice %arg3[%run_scoped3A_12, %mul3A_11] : memref<2x320000xi32, #tpu.memory_space<hbm>> -> memref<1x10000xi32, #tpu.memory_space<hbm>>
      %dma_start3A_251 = tpu.memref_squeeze %dma_start3A_250 : memref<1x10000xi32, #tpu.memory_space<hbm>> -> memref<10000xi32, #tpu.memory_space<hbm>>
      tpu.enqueue_dma source(%dma_start3A_251 : memref<10000xi32, #tpu.memory_space<hbm>>) target(%arg7 : memref<10000xi32, #tpu.memory_space<vmem>>) target_semaphore(%run_scoped3A_247 : memref<!tpu.dma_semaphore, #tpu.memory_space<semaphore_mem>>)
      %dma_wait3A = tpu.memref_slice %arg3[%run_scoped3A_12, %mul3A_11] : memref<2x320000xi32, #tpu.memory_space<hbm>> -> memref<1x10000xi32, #tpu.memory_space<hbm>>
      %dma_wait3A_252 = tpu.memref_squeeze %dma_wait3A : memref<1x10000xi32, #tpu.memory_space<hbm>> -> memref<10000xi32, #tpu.memory_space<hbm>>
      %dma_wait3A_253 = tpu.memref_slice %arg3[%run_scoped3A_12, %mul3A_11] : memref<2x320000xi32, #tpu.memory_space<hbm>> -> memref<1x10000xi32, #tpu.memory_space<hbm>>
      %dma_wait3A_254 = tpu.memref_squeeze %dma_wait3A_253 : memref<1x10000xi32, #tpu.memory_space<hbm>> -> memref<10000xi32, #tpu.memory_space<hbm>>
      tpu.wait_dma2 semaphore(%run_scoped3A_247 : memref<!tpu.dma_semaphore, #tpu.memory_space<semaphore_mem>>) src(%dma_wait3A_254 : memref<10000xi32, #tpu.memory_space<hbm>>) dst(%arg7 : memref<10000xi32, #tpu.memory_space<vmem>>)
      tpu.yield
    }) : () -> ()
    %mul3A_13 = arith.constant 320 : i32
    %mul3A_14 = arith.muli %add3A, %mul3A_13 : i32
    %iota3A = tpu.iota {dimensions = array<i32: 0>} : vector<16xi32>
    %add3A_15 = arith.constant 0 : i32
    %add3A_16 = arith.addi %mul3A_14, %add3A_15 : i32
    %add3A_17 = vector.broadcast %add3A_16 : i32 to vector<16xi32>
    %add3A_18 = arith.addi %iota3A, %add3A_17 : vector<16xi32>
    %swap3A = arith.constant 0 : index
    %swap3A_19 = tpu.vector_load %arg9[%swap3A] {strides = array<i32>} : memref<320xi32, #tpu.memory_space<vmem>>, vector<16xi32>,
    %swap3A_20 = vector.shape_cast %swap3A_19 : vector<16xi32> to vector<16xi32>
    %swap3A_21 = vector.shape_cast %add3A_18 : vector<16xi32> to vector<16xi32>
    tpu.vector_store %arg9[%swap3A], %swap3A_21 {strides = array<i32>} : memref<320xi32, #tpu.memory_space<vmem>>, vector<16xi32>,
    %iota3A_22 = tpu.iota {dimensions = array<i32: 0>} : vector<16xi32>
    %add3A_23 = arith.constant 16 : i32
    %add3A_24 = arith.addi %mul3A_14, %add3A_23 : i32
    %add3A_25 = vector.broadcast %add3A_24 : i32 to vector<16xi32>
    %add3A_26 = arith.addi %iota3A_22, %add3A_25 : vector<16xi32>
    %swap3A_27 = arith.constant 16 : index
    %swap3A_28 = tpu.vector_load %arg9[%swap3A_27] {strides = array<i32>} : memref<320xi32, #tpu.memory_space<vmem>>, vector<16xi32>,
    %swap3A_29 = vector.shape_cast %swap3A_28 : vector<16xi32> to vector<16xi32>
    %swap3A_30 = vector.shape_cast %add3A_26 : vector<16xi32> to vector<16xi32>
    tpu.vector_store %arg9[%swap3A_27], %swap3A_30 {strides = array<i32>} : memref<320xi32, #tpu.memory_space<vmem>>, vector<16xi32>,
    %iota3A_31 = tpu.iota {dimensions = array<i32: 0>} : vector<16xi32>
    %add3A_32 = arith.constant 32 : i32
    %add3A_33 = arith.addi %mul3A_14, %add3A_32 : i32
    %add3A_34 = vector.broadcast %add3A_33 : i32 to vector<16xi32>
    %add3A_35 = arith.addi %iota3A_31, %add3A_34 : vector<16xi32>
    %swap3A_36 = arith.constant 32 : index
    %swap3A_37 = tpu.vector_load %arg9[%swap3A_36] {strides = array<i32>} : memref<320xi32, #tpu.memory_space<vmem>>, vector<16xi32>,
    %swap3A_38 = vector.shape_cast %swap3A_37 : vector<16xi32> to vector<16xi32>
    %swap3A_39 = vector.shape_cast %add3A_35 : vector<16xi32> to vector<16xi32>
    tpu.vector_store %arg9[%swap3A_36], %swap3A_39 {strides = array<i32>} : memref<320xi32, #tpu.memory_space<vmem>>, vector<16xi32>,
    %iota3A_40 = tpu.iota {dimensions = array<i32: 0>} : vector<16xi32>
    %add3A_41 = arith.constant 48 : i32
    %add3A_42 = arith.addi %mul3A_14, %add3A_41 : i32
    %add3A_43 = vector.broadcast %add3A_42 : i32 to vector<16xi32>
    %add3A_44 = arith.addi %iota3A_40, %add3A_43 : vector<16xi32>
    %swap3A_45 = arith.constant 48 : index
    %swap3A_46 = tpu.vector_load %arg9[%swap3A_45] {strides = array<i32>} : memref<320xi32, #tpu.memory_space<vmem>>, vector<16xi32>,
    %swap3A_47 = vector.shape_cast %swap3A_46 : vector<16xi32> to vector<16xi32>
    %swap3A_48 = vector.shape_cast %add3A_44 : vector<16xi32> to vector<16xi32>
    tpu.vector_store %arg9[%swap3A_45], %swap3A_48 {strides = array<i32>} : memref<320xi32, #tpu.memory_space<vmem>>, vector<16xi32>,
    %iota3A_49 = tpu.iota {dimensions = array<i32: 0>} : vector<16xi32>
    %add3A_50 = arith.constant 64 : i32
    %add3A_51 = arith.addi %mul3A_14, %add3A_50 : i32
    %add3A_52 = vector.broadcast %add3A_51 : i32 to vector<16xi32>
    %add3A_53 = arith.addi %iota3A_49, %add3A_52 : vector<16xi32>
    %swap3A_54 = arith.constant 64 : index
    %swap3A_55 = tpu.vector_load %arg9[%swap3A_54] {strides = array<i32>} : memref<320xi32, #tpu.memory_space<vmem>>, vector<16xi32>,
    %swap3A_56 = vector.shape_cast %swap3A_55 : vector<16xi32> to vector<16xi32>
    %swap3A_57 = vector.shape_cast %add3A_53 : vector<16xi32> to vector<16xi32>
    tpu.vector_store %arg9[%swap3A_54], %swap3A_57 {strides = array<i32>} : memref<320xi32, #tpu.memory_space<vmem>>, vector<16xi32>,
    %iota3A_58 = tpu.iota {dimensions = array<i32: 0>} : vector<16xi32>
    %add3A_59 = arith.constant 80 : i32
    %add3A_60 = arith.addi %mul3A_14, %add3A_59 : i32
    %add3A_61 = vector.broadcast %add3A_60 : i32 to vector<16xi32>
    %add3A_62 = arith.addi %iota3A_58, %add3A_61 : vector<16xi32>
    %swap3A_63 = arith.constant 80 : index
    %swap3A_64 = tpu.vector_load %arg9[%swap3A_63] {strides = array<i32>} : memref<320xi32, #tpu.memory_space<vmem>>, vector<16xi32>,
    %swap3A_65 = vector.shape_cast %swap3A_64 : vector<16xi32> to vector<16xi32>
    %swap3A_66 = vector.shape_cast %add3A_62 : vector<16xi32> to vector<16xi32>
    tpu.vector_store %arg9[%swap3A_63], %swap3A_66 {strides = array<i32>} : memref<320xi32, #tpu.memory_space<vmem>>, vector<16xi32>,
    %iota3A_67 = tpu.iota {dimensions = array<i32: 0>} : vector<16xi32>
    %add3A_68 = arith.constant 96 : i32
    %add3A_69 = arith.addi %mul3A_14, %add3A_68 : i32
    %add3A_70 = vector.broadcast %add3A_69 : i32 to vector<16xi32>
    %add3A_71 = arith.addi %iota3A_67, %add3A_70 : vector<16xi32>
    %swap3A_72 = arith.constant 96 : index
    %swap3A_73 = tpu.vector_load %arg9[%swap3A_72] {strides = array<i32>} : memref<320xi32, #tpu.memory_space<vmem>>, vector<16xi32>,
    %swap3A_74 = vector.shape_cast %swap3A_73 : vector<16xi32> to vector<16xi32>
    %swap3A_75 = vector.shape_cast %add3A_71 : vector<16xi32> to vector<16xi32>
    tpu.vector_store %arg9[%swap3A_72], %swap3A_75 {strides = array<i32>} : memref<320xi32, #tpu.memory_space<vmem>>, vector<16xi32>,
    %iota3A_76 = tpu.iota {dimensions = array<i32: 0>} : vector<16xi32>
    %add3A_77 = arith.constant 112 : i32
    %add3A_78 = arith.addi %mul3A_14, %add3A_77 : i32
    %add3A_79 = vector.broadcast %add3A_78 : i32 to vector<16xi32>
    %add3A_80 = arith.addi %iota3A_76, %add3A_79 : vector<16xi32>
    %swap3A_81 = arith.constant 112 : index
    %swap3A_82 = tpu.vector_load %arg9[%swap3A_81] {strides = array<i32>} : memref<320xi32, #tpu.memory_space<vmem>>, vector<16xi32>,
    %swap3A_83 = vector.shape_cast %swap3A_82 : vector<16xi32> to vector<16xi32>
    %swap3A_84 = vector.shape_cast %add3A_80 : vector<16xi32> to vector<16xi32>
    tpu.vector_store %arg9[%swap3A_81], %swap3A_84 {strides = array<i32>} : memref<320xi32, #tpu.memory_space<vmem>>, vector<16xi32>,
    %iota3A_85 = tpu.iota {dimensions = array<i32: 0>} : vector<16xi32>
    %add3A_86 = arith.constant 128 : i32
    %add3A_87 = arith.addi %mul3A_14, %add3A_86 : i32
    %add3A_88 = vector.broadcast %add3A_87 : i32 to vector<16xi32>
    %add3A_89 = arith.addi %iota3A_85, %add3A_88 : vector<16xi32>
    %swap3A_90 = arith.constant 128 : index
    %swap3A_91 = tpu.vector_load %arg9[%swap3A_90] {strides = array<i32>} : memref<320xi32, #tpu.memory_space<vmem>>, vector<16xi32>,
    %swap3A_92 = vector.shape_cast %swap3A_91 : vector<16xi32> to vector<16xi32>
    %swap3A_93 = vector.shape_cast %add3A_89 : vector<16xi32> to vector<16xi32>
    tpu.vector_store %arg9[%swap3A_90], %swap3A_93 {strides = array<i32>} : memref<320xi32, #tpu.memory_space<vmem>>, vector<16xi32>,
    %iota3A_94 = tpu.iota {dimensions = array<i32: 0>} : vector<16xi32>
    %add3A_95 = arith.constant 144 : i32
    %add3A_96 = arith.addi %mul3A_14, %add3A_95 : i32
    %add3A_97 = vector.broadcast %add3A_96 : i32 to vector<16xi32>
    %add3A_98 = arith.addi %iota3A_94, %add3A_97 : vector<16xi32>
    %swap3A_99 = arith.constant 144 : index
    %swap3A_100 = tpu.vector_load %arg9[%swap3A_99] {strides = array<i32>} : memref<320xi32, #tpu.memory_space<vmem>>, vector<16xi32>,
    %swap3A_101 = vector.shape_cast %swap3A_100 : vector<16xi32> to vector<16xi32>
    %swap3A_102 = vector.shape_cast %add3A_98 : vector<16xi32> to vector<16xi32>
    tpu.vector_store %arg9[%swap3A_99], %swap3A_102 {strides = array<i32>} : memref<320xi32, #tpu.memory_space<vmem>>, vector<16xi32>,
    %iota3A_103 = tpu.iota {dimensions = array<i32: 0>} : vector<16xi32>
    %add3A_104 = arith.constant 160 : i32
    %add3A_105 = arith.addi %mul3A_14, %add3A_104 : i32
    %add3A_106 = vector.broadcast %add3A_105 : i32 to vector<16xi32>
    %add3A_107 = arith.addi %iota3A_103, %add3A_106 : vector<16xi32>
    %swap3A_108 = arith.constant 160 : index
    %swap3A_109 = tpu.vector_load %arg9[%swap3A_108] {strides = array<i32>} : memref<320xi32, #tpu.memory_space<vmem>>, vector<16xi32>,
    %swap3A_110 = vector.shape_cast %swap3A_109 : vector<16xi32> to vector<16xi32>
    %swap3A_111 = vector.shape_cast %add3A_107 : vector<16xi32> to vector<16xi32>
    tpu.vector_store %arg9[%swap3A_108], %swap3A_111 {strides = array<i32>} : memref<320xi32, #tpu.memory_space<vmem>>, vector<16xi32>,
    %iota3A_112 = tpu.iota {dimensions = array<i32: 0>} : vector<16xi32>
    %add3A_113 = arith.constant 176 : i32
    %add3A_114 = arith.addi %mul3A_14, %add3A_113 : i32
    %add3A_115 = vector.broadcast %add3A_114 : i32 to vector<16xi32>
    %add3A_116 = arith.addi %iota3A_112, %add3A_115 : vector<16xi32>
    %swap3A_117 = arith.constant 176 : index
    %swap3A_118 = tpu.vector_load %arg9[%swap3A_117] {strides = array<i32>} : memref<320xi32, #tpu.memory_space<vmem>>, vector<16xi32>,
    %swap3A_119 = vector.shape_cast %swap3A_118 : vector<16xi32> to vector<16xi32>
    %swap3A_120 = vector.shape_cast %add3A_116 : vector<16xi32> to vector<16xi32>
    tpu.vector_store %arg9[%swap3A_117], %swap3A_120 {strides = array<i32>} : memref<320xi32, #tpu.memory_space<vmem>>, vector<16xi32>,
    %iota3A_121 = tpu.iota {dimensions = array<i32: 0>} : vector<16xi32>
    %add3A_122 = arith.constant 192 : i32
    %add3A_123 = arith.addi %mul3A_14, %add3A_122 : i32
    %add3A_124 = vector.broadcast %add3A_123 : i32 to vector<16xi32>
    %add3A_125 = arith.addi %iota3A_121, %add3A_124 : vector<16xi32>
    %swap3A_126 = arith.constant 192 : index
    %swap3A_127 = tpu.vector_load %arg9[%swap3A_126] {strides = array<i32>} : memref<320xi32, #tpu.memory_space<vmem>>, vector<16xi32>,
    %swap3A_128 = vector.shape_cast %swap3A_127 : vector<16xi32> to vector<16xi32>
    %swap3A_129 = vector.shape_cast %add3A_125 : vector<16xi32> to vector<16xi32>
    tpu.vector_store %arg9[%swap3A_126], %swap3A_129 {strides = array<i32>} : memref<320xi32, #tpu.memory_space<vmem>>, vector<16xi32>,
    %iota3A_130 = tpu.iota {dimensions = array<i32: 0>} : vector<16xi32>
    %add3A_131 = arith.constant 208 : i32
    %add3A_132 = arith.addi %mul3A_14, %add3A_131 : i32
    %add3A_133 = vector.broadcast %add3A_132 : i32 to vector<16xi32>
    %add3A_134 = arith.addi %iota3A_130, %add3A_133 : vector<16xi32>
    %swap3A_135 = arith.constant 208 : index
    %swap3A_136 = tpu.vector_load %arg9[%swap3A_135] {strides = array<i32>} : memref<320xi32, #tpu.memory_space<vmem>>, vector<16xi32>,
    %swap3A_137 = vector.shape_cast %swap3A_136 : vector<16xi32> to vector<16xi32>
    %swap3A_138 = vector.shape_cast %add3A_134 : vector<16xi32> to vector<16xi32>
    tpu.vector_store %arg9[%swap3A_135], %swap3A_138 {strides = array<i32>} : memref<320xi32, #tpu.memory_space<vmem>>, vector<16xi32>,
    %iota3A_139 = tpu.iota {dimensions = array<i32: 0>} : vector<16xi32>
    %add3A_140 = arith.constant 224 : i32
    %add3A_141 = arith.addi %mul3A_14, %add3A_140 : i32
    %add3A_142 = vector.broadcast %add3A_141 : i32 to vector<16xi32>
    %add3A_143 = arith.addi %iota3A_139, %add3A_142 : vector<16xi32>
    %swap3A_144 = arith.constant 224 : index
    %swap3A_145 = tpu.vector_load %arg9[%swap3A_144] {strides = array<i32>} : memref<320xi32, #tpu.memory_space<vmem>>, vector<16xi32>,
    %swap3A_146 = vector.shape_cast %swap3A_145 : vector<16xi32> to vector<16xi32>
    %swap3A_147 = vector.shape_cast %add3A_143 : vector<16xi32> to vector<16xi32>
    tpu.vector_store %arg9[%swap3A_144], %swap3A_147 {strides = array<i32>} : memref<320xi32, #tpu.memory_space<vmem>>, vector<16xi32>,
    %iota3A_148 = tpu.iota {dimensions = array<i32: 0>} : vector<16xi32>
    %add3A_149 = arith.constant 240 : i32
    %add3A_150 = arith.addi %mul3A_14, %add3A_149 : i32
    %add3A_151 = vector.broadcast %add3A_150 : i32 to vector<16xi32>
    %add3A_152 = arith.addi %iota3A_148, %add3A_151 : vector<16xi32>
    %swap3A_153 = arith.constant 240 : index
    %swap3A_154 = tpu.vector_load %arg9[%swap3A_153] {strides = array<i32>} : memref<320xi32, #tpu.memory_space<vmem>>, vector<16xi32>,
    %swap3A_155 = vector.shape_cast %swap3A_154 : vector<16xi32> to vector<16xi32>
    %swap3A_156 = vector.shape_cast %add3A_152 : vector<16xi32> to vector<16xi32>
    tpu.vector_store %arg9[%swap3A_153], %swap3A_156 {strides = array<i32>} : memref<320xi32, #tpu.memory_space<vmem>>, vector<16xi32>,
    %iota3A_157 = tpu.iota {dimensions = array<i32: 0>} : vector<16xi32>
    %add3A_158 = arith.constant 256 : i32
    %add3A_159 = arith.addi %mul3A_14, %add3A_158 : i32
    %add3A_160 = vector.broadcast %add3A_159 : i32 to vector<16xi32>
    %add3A_161 = arith.addi %iota3A_157, %add3A_160 : vector<16xi32>
    %swap3A_162 = arith.constant 256 : index
    %swap3A_163 = tpu.vector_load %arg9[%swap3A_162] {strides = array<i32>} : memref<320xi32, #tpu.memory_space<vmem>>, vector<16xi32>,
    %swap3A_164 = vector.shape_cast %swap3A_163 : vector<16xi32> to vector<16xi32>
    %swap3A_165 = vector.shape_cast %add3A_161 : vector<16xi32> to vector<16xi32>
    tpu.vector_store %arg9[%swap3A_162], %swap3A_165 {strides = array<i32>} : memref<320xi32, #tpu.memory_space<vmem>>, vector<16xi32>,
    %iota3A_166 = tpu.iota {dimensions = array<i32: 0>} : vector<16xi32>
    %add3A_167 = arith.constant 272 : i32
    %add3A_168 = arith.addi %mul3A_14, %add3A_167 : i32
    %add3A_169 = vector.broadcast %add3A_168 : i32 to vector<16xi32>
    %add3A_170 = arith.addi %iota3A_166, %add3A_169 : vector<16xi32>
    %swap3A_171 = arith.constant 272 : index
    %swap3A_172 = tpu.vector_load %arg9[%swap3A_171] {strides = array<i32>} : memref<320xi32, #tpu.memory_space<vmem>>, vector<16xi32>,
    %swap3A_173 = vector.shape_cast %swap3A_172 : vector<16xi32> to vector<16xi32>
    %swap3A_174 = vector.shape_cast %add3A_170 : vector<16xi32> to vector<16xi32>
    tpu.vector_store %arg9[%swap3A_171], %swap3A_174 {strides = array<i32>} : memref<320xi32, #tpu.memory_space<vmem>>, vector<16xi32>,
    %iota3A_175 = tpu.iota {dimensions = array<i32: 0>} : vector<16xi32>
    %add3A_176 = arith.constant 288 : i32
    %add3A_177 = arith.addi %mul3A_14, %add3A_176 : i32
    %add3A_178 = vector.broadcast %add3A_177 : i32 to vector<16xi32>
    %add3A_179 = arith.addi %iota3A_175, %add3A_178 : vector<16xi32>
    %swap3A_180 = arith.constant 288 : index
    %swap3A_181 = tpu.vector_load %arg9[%swap3A_180] {strides = array<i32>} : memref<320xi32, #tpu.memory_space<vmem>>, vector<16xi32>,
    %swap3A_182 = vector.shape_cast %swap3A_181 : vector<16xi32> to vector<16xi32>
    %swap3A_183 = vector.shape_cast %add3A_179 : vector<16xi32> to vector<16xi32>
    tpu.vector_store %arg9[%swap3A_180], %swap3A_183 {strides = array<i32>} : memref<320xi32, #tpu.memory_space<vmem>>, vector<16xi32>,
    %iota3A_184 = tpu.iota {dimensions = array<i32: 0>} : vector<16xi32>
    %add3A_185 = arith.constant 304 : i32
    %add3A_186 = arith.addi %mul3A_14, %add3A_185 : i32
    %add3A_187 = vector.broadcast %add3A_186 : i32 to vector<16xi32>
    %add3A_188 = arith.addi %iota3A_184, %add3A_187 : vector<16xi32>
    %swap3A_189 = arith.constant 304 : index
    %swap3A_190 = tpu.vector_load %arg9[%swap3A_189] {strides = array<i32>} : memref<320xi32, #tpu.memory_space<vmem>>, vector<16xi32>,
    %swap3A_191 = vector.shape_cast %swap3A_190 : vector<16xi32> to vector<16xi32>
    %swap3A_192 = vector.shape_cast %add3A_188 : vector<16xi32> to vector<16xi32>
    tpu.vector_store %arg9[%swap3A_189], %swap3A_192 {strides = array<i32>} : memref<320xi32, #tpu.memory_space<vmem>>, vector<16xi32>,
    %barrier3A = arith.constant 0 : index
    tpu.barrier barrier_id(%barrier3A)
    %scan3A = arith.constant 0 : i32
    %scan3A_193 = arith.constant 0 : i32
    %scan3A_194 = arith.constant 125 : i32
    %scan3A_195 = arith.addi %scan3A_193, %scan3A_194 : i32
    %scan3A_196 = arith.constant 1 : i32
    scf.for %scan3A_247 = %scan3A_193 to %scan3A_195 step %scan3A_196  : i32 {
      %mul3A_248 = arith.constant 80 : i32
      %mul3A_249 = arith.muli %scan3A_247, %mul3A_248 : i32
      %dma_start3A_250 = arith.constant 0 : i32
      %dma_start3A_251 = arith.constant 0 : i32
      %dma_start3A_252 = tpu.memref_slice %arg8[%scan3A_247, %dma_start3A_250, %dma_start3A_251] : memref<125x80x8xf32, #tpu.memory_space<vmem>> -> memref<1x80x8xf32, #tpu.memory_space<vmem>>
      %dma_start3A_253 = tpu.memref_squeeze %dma_start3A_252 : memref<1x80x8xf32, #tpu.memory_space<vmem>> -> memref<80x8xf32, #tpu.memory_space<vmem>>
      %dma_start3A_254 = tpu.memref_slice %arg6[%mul3A_249] : memref<10000xi32, #tpu.memory_space<vmem>> -> memref<80xi32, #tpu.memory_space<vmem>>
      %dma_start3A_255 = arith.constant 0 : i32
      %dma_start3A_256 = arith.constant 0 : i32
      %dma_start3A_257 = tpu.memref_slice %arg12[%dma_start3A_255, %dma_start3A_256] : memref<10240x8xf32, #tpu.memory_space<vmem_shared>> -> memref<10240x8xf32, #tpu.memory_space<vmem_shared>>
      tpu.enqueue_indirect_dma source(%dma_start3A_257 : memref<10240x8xf32, #tpu.memory_space<vmem_shared>>) target(%dma_start3A_253 : memref<80x8xf32, #tpu.memory_space<vmem>>) offsets(%dma_start3A_254 : memref<80xi32, #tpu.memory_space<vmem>>) semaphore(%arg13 : memref<!tpu.dma_semaphore, #tpu.memory_space<semaphore_mem>>)
    }
    %scan3A_197 = arith.constant 125 : i32
    "tpu.region"() ({
      %run_scoped3A_247 = tpu.sem_alloc : memref<!tpu.dma_semaphore, #tpu.memory_space<semaphore_mem>>
      %dma_start3A_248 = arith.constant 0 : i32
      %dma_start3A_249 = tpu.memref_slice %arg12[%mul3A_14, %dma_start3A_248] : memref<10240x8xf32, #tpu.memory_space<vmem_shared>> -> memref<320x8xf32, #tpu.memory_space<vmem_shared>>
      %dma_start3A_250 = arith.constant 0 : i32
      %dma_start3A_251 = tpu.memref_slice %arg12[%mul3A_14, %dma_start3A_250] : memref<10240x8xf32, #tpu.memory_space<vmem_shared>> -> memref<320x8xf32, #tpu.memory_space<vmem_shared>>
      tpu.enqueue_dma source(%dma_start3A_251 : memref<320x8xf32, #tpu.memory_space<vmem_shared>>) target(%arg10 : memref<320x8xf32, #tpu.memory_space<vmem>>) target_semaphore(%run_scoped3A_247 : memref<!tpu.dma_semaphore, #tpu.memory_space<semaphore_mem>>)
      %dma_wait3A = arith.constant 0 : i32
      %dma_wait3A_252 = tpu.memref_slice %arg12[%mul3A_14, %dma_wait3A] : memref<10240x8xf32, #tpu.memory_space<vmem_shared>> -> memref<320x8xf32, #tpu.memory_space<vmem_shared>>
      %dma_wait3A_253 = arith.constant 0 : i32
      %dma_wait3A_254 = tpu.memref_slice %arg12[%mul3A_14, %dma_wait3A_253] : memref<10240x8xf32, #tpu.memory_space<vmem_shared>> -> memref<320x8xf32, #tpu.memory_space<vmem_shared>>
      tpu.wait_dma2 semaphore(%run_scoped3A_247 : memref<!tpu.dma_semaphore, #tpu.memory_space<semaphore_mem>>) src(%dma_wait3A_254 : memref<320x8xf32, #tpu.memory_space<vmem_shared>>) dst(%arg10 : memref<320x8xf32, #tpu.memory_space<vmem>>)
      tpu.yield
    }) : () -> ()
    %dma_start3A = arith.constant 0 : i32
    %dma_start3A_198 = arith.constant 0 : i32
    %dma_start3A_199 = tpu.memref_slice %arg10[%dma_start3A, %dma_start3A_198] : memref<320x8xf32, #tpu.memory_space<vmem>> -> memref<80x8xf32, #tpu.memory_space<vmem>>
    %dma_start3A_200 = arith.constant 0 : i32
    %dma_start3A_201 = tpu.memref_slice %arg9[%dma_start3A_200] : memref<320xi32, #tpu.memory_space<vmem>> -> memref<80xi32, #tpu.memory_space<vmem>>
    %dma_start3A_202 = arith.constant 0 : i32
    %dma_start3A_203 = arith.constant 0 : i32
    %dma_start3A_204 = tpu.memref_slice %arg11[%dma_start3A_202, %dma_start3A_203] : memref<10240x8xf32, #tpu.memory_space<vmem_shared>> -> memref<10240x8xf32, #tpu.memory_space<vmem_shared>>
    tpu.enqueue_indirect_dma source(%dma_start3A_199 : memref<80x8xf32, #tpu.memory_space<vmem>>) target(%dma_start3A_204 : memref<10240x8xf32, #tpu.memory_space<vmem_shared>>) offsets(%dma_start3A_201 : memref<80xi32, #tpu.memory_space<vmem>>) semaphore(%arg14 : memref<!tpu.dma_semaphore, #tpu.memory_space<semaphore_mem>>) {add = true}
    %dma_start3A_205 = arith.constant 80 : i32
    %dma_start3A_206 = arith.constant 0 : i32
    %dma_start3A_207 = tpu.memref_slice %arg10[%dma_start3A_205, %dma_start3A_206] : memref<320x8xf32, #tpu.memory_space<vmem>> -> memref<80x8xf32, #tpu.memory_space<vmem>>
    %dma_start3A_208 = arith.constant 80 : i32
    %dma_start3A_209 = tpu.memref_slice %arg9[%dma_start3A_208] : memref<320xi32, #tpu.memory_space<vmem>> -> memref<80xi32, #tpu.memory_space<vmem>>
    %dma_start3A_210 = arith.constant 0 : i32
    %dma_start3A_211 = arith.constant 0 : i32
    %dma_start3A_212 = tpu.memref_slice %arg11[%dma_start3A_210, %dma_start3A_211] : memref<10240x8xf32, #tpu.memory_space<vmem_shared>> -> memref<10240x8xf32, #tpu.memory_space<vmem_shared>>
    tpu.enqueue_indirect_dma source(%dma_start3A_207 : memref<80x8xf32, #tpu.memory_space<vmem>>) target(%dma_start3A_212 : memref<10240x8xf32, #tpu.memory_space<vmem_shared>>) offsets(%dma_start3A_209 : memref<80xi32, #tpu.memory_space<vmem>>) semaphore(%arg14 : memref<!tpu.dma_semaphore, #tpu.memory_space<semaphore_mem>>) {add = true}
    %dma_start3A_213 = arith.constant 160 : i32
    %dma_start3A_214 = arith.constant 0 : i32
    %dma_start3A_215 = tpu.memref_slice %arg10[%dma_start3A_213, %dma_start3A_214] : memref<320x8xf32, #tpu.memory_space<vmem>> -> memref<80x8xf32, #tpu.memory_space<vmem>>
    %dma_start3A_216 = arith.constant 160 : i32
    %dma_start3A_217 = tpu.memref_slice %arg9[%dma_start3A_216] : memref<320xi32, #tpu.memory_space<vmem>> -> memref<80xi32, #tpu.memory_space<vmem>>
    %dma_start3A_218 = arith.constant 0 : i32
    %dma_start3A_219 = arith.constant 0 : i32
    %dma_start3A_220 = tpu.memref_slice %arg11[%dma_start3A_218, %dma_start3A_219] : memref<10240x8xf32, #tpu.memory_space<vmem_shared>> -> memref<10240x8xf32, #tpu.memory_space<vmem_shared>>
    tpu.enqueue_indirect_dma source(%dma_start3A_215 : memref<80x8xf32, #tpu.memory_space<vmem>>) target(%dma_start3A_220 : memref<10240x8xf32, #tpu.memory_space<vmem_shared>>) offsets(%dma_start3A_217 : memref<80xi32, #tpu.memory_space<vmem>>) semaphore(%arg14 : memref<!tpu.dma_semaphore, #tpu.memory_space<semaphore_mem>>) {add = true}
    %dma_start3A_221 = arith.constant 240 : i32
    %dma_start3A_222 = arith.constant 0 : i32
    %dma_start3A_223 = tpu.memref_slice %arg10[%dma_start3A_221, %dma_start3A_222] : memref<320x8xf32, #tpu.memory_space<vmem>> -> memref<80x8xf32, #tpu.memory_space<vmem>>
    %dma_start3A_224 = arith.constant 240 : i32
    %dma_start3A_225 = tpu.memref_slice %arg9[%dma_start3A_224] : memref<320xi32, #tpu.memory_space<vmem>> -> memref<80xi32, #tpu.memory_space<vmem>>
    %dma_start3A_226 = arith.constant 0 : i32
    %dma_start3A_227 = arith.constant 0 : i32
    %dma_start3A_228 = tpu.memref_slice %arg11[%dma_start3A_226, %dma_start3A_227] : memref<10240x8xf32, #tpu.memory_space<vmem_shared>> -> memref<10240x8xf32, #tpu.memory_space<vmem_shared>>
    tpu.enqueue_indirect_dma source(%dma_start3A_223 : memref<80x8xf32, #tpu.memory_space<vmem>>) target(%dma_start3A_228 : memref<10240x8xf32, #tpu.memory_space<vmem_shared>>) offsets(%dma_start3A_225 : memref<80xi32, #tpu.memory_space<vmem>>) semaphore(%arg14 : memref<!tpu.dma_semaphore, #tpu.memory_space<semaphore_mem>>) {add = true}
    %scan3A_229 = arith.constant 0 : i32
    %scan3A_230 = arith.constant 0 : i32
    %scan3A_231 = arith.constant 125 : i32
    %scan3A_232 = arith.addi %scan3A_230, %scan3A_231 : i32
    %scan3A_233 = arith.constant 1 : i32
    scf.for %scan3A_247 = %scan3A_230 to %scan3A_232 step %scan3A_233  : i32 {
      %dma_wait3A = arith.constant 0 : i32
      %dma_wait3A_248 = arith.constant 0 : i32
      %dma_wait3A_249 = tpu.memref_slice %arg8[%scan3A_247, %dma_wait3A, %dma_wait3A_248] : memref<125x80x8xf32, #tpu.memory_space<vmem>> -> memref<1x80x8xf32, #tpu.memory_space<vmem>>
      %dma_wait3A_250 = tpu.memref_squeeze %dma_wait3A_249 : memref<1x80x8xf32, #tpu.memory_space<vmem>> -> memref<80x8xf32, #tpu.memory_space<vmem>>
      %dma_wait3A_251 = arith.constant 0 : i32
      %dma_wait3A_252 = arith.constant 0 : i32
      %dma_wait3A_253 = tpu.memref_slice %arg2[%dma_wait3A_251, %dma_wait3A_252] : memref<10240x8xf32, #tpu.memory_space<hbm>> -> memref<80x8xf32, #tpu.memory_space<hbm>>
      %dma_wait3A_254 = arith.constant 0 : i32
      %dma_wait3A_255 = arith.constant 0 : i32
      %dma_wait3A_256 = tpu.memref_slice %arg8[%scan3A_247, %dma_wait3A_254, %dma_wait3A_255] : memref<125x80x8xf32, #tpu.memory_space<vmem>> -> memref<1x80x8xf32, #tpu.memory_space<vmem>>
      %dma_wait3A_257 = tpu.memref_squeeze %dma_wait3A_256 : memref<1x80x8xf32, #tpu.memory_space<vmem>> -> memref<80x8xf32, #tpu.memory_space<vmem>>
      %dma_wait3A_258 = arith.constant 0 : i32
      %dma_wait3A_259 = arith.constant 0 : i32
      %dma_wait3A_260 = tpu.memref_slice %arg2[%dma_wait3A_258, %dma_wait3A_259] : memref<10240x8xf32, #tpu.memory_space<hbm>> -> memref<80x8xf32, #tpu.memory_space<hbm>>
      tpu.wait_dma2 semaphore(%arg13 : memref<!tpu.dma_semaphore, #tpu.memory_space<semaphore_mem>>) src(%dma_wait3A_260 : memref<80x8xf32, #tpu.memory_space<hbm>>) dst(%dma_wait3A_257 : memref<80x8xf32, #tpu.memory_space<vmem>>)
      %mul3A_261 = arith.constant 80 : i32
      %mul3A_262 = arith.muli %scan3A_247, %mul3A_261 : i32
      %dma_start3A_263 = arith.constant 0 : i32
      %dma_start3A_264 = arith.constant 0 : i32
      %dma_start3A_265 = tpu.memref_slice %arg8[%scan3A_247, %dma_start3A_263, %dma_start3A_264] : memref<125x80x8xf32, #tpu.memory_space<vmem>> -> memref<1x80x8xf32, #tpu.memory_space<vmem>>
      %dma_start3A_266 = tpu.memref_squeeze %dma_start3A_265 : memref<1x80x8xf32, #tpu.memory_space<vmem>> -> memref<80x8xf32, #tpu.memory_space<vmem>>
      %dma_start3A_267 = tpu.memref_slice %arg7[%mul3A_262] : memref<10000xi32, #tpu.memory_space<vmem>> -> memref<80xi32, #tpu.memory_space<vmem>>
      %dma_start3A_268 = arith.constant 0 : i32
      %dma_start3A_269 = arith.constant 0 : i32
      %dma_start3A_270 = tpu.memref_slice %arg11[%dma_start3A_268, %dma_start3A_269] : memref<10240x8xf32, #tpu.memory_space<vmem_shared>> -> memref<10240x8xf32, #tpu.memory_space<vmem_shared>>
      tpu.enqueue_indirect_dma source(%dma_start3A_266 : memref<80x8xf32, #tpu.memory_space<vmem>>) target(%dma_start3A_270 : memref<10240x8xf32, #tpu.memory_space<vmem_shared>>) offsets(%dma_start3A_267 : memref<80xi32, #tpu.memory_space<vmem>>) semaphore(%arg14 : memref<!tpu.dma_semaphore, #tpu.memory_space<semaphore_mem>>) {add = true}
    }
    %scan3A_234 = arith.constant 125 : i32
    %scan3A_235 = arith.constant 0 : i32
    %scan3A_236 = arith.constant 0 : i32
    %scan3A_237 = arith.constant 129 : i32
    %scan3A_238 = arith.addi %scan3A_236, %scan3A_237 : i32
    %scan3A_239 = arith.constant 1 : i32
    scf.for %scan3A_247 = %scan3A_236 to %scan3A_238 step %scan3A_239  : i32 {
      %dma_wait3A = arith.constant 0 : i32
      %dma_wait3A_248 = arith.constant 0 : i32
      %dma_wait3A_249 = arith.constant 0 : i32
      %dma_wait3A_250 = tpu.memref_slice %arg8[%dma_wait3A, %dma_wait3A_248, %dma_wait3A_249] : memref<125x80x8xf32, #tpu.memory_space<vmem>> -> memref<1x80x8xf32, #tpu.memory_space<vmem>>
      %dma_wait3A_251 = tpu.memref_squeeze %dma_wait3A_250 : memref<1x80x8xf32, #tpu.memory_space<vmem>> -> memref<80x8xf32, #tpu.memory_space<vmem>>
      %dma_wait3A_252 = arith.constant 0 : i32
      %dma_wait3A_253 = arith.constant 0 : i32
      %dma_wait3A_254 = tpu.memref_slice %arg2[%dma_wait3A_252, %dma_wait3A_253] : memref<10240x8xf32, #tpu.memory_space<hbm>> -> memref<80x8xf32, #tpu.memory_space<hbm>>
      %dma_wait3A_255 = arith.constant 0 : i32
      %dma_wait3A_256 = arith.constant 0 : i32
      %dma_wait3A_257 = tpu.memref_slice %arg8[%dma_wait3A, %dma_wait3A_255, %dma_wait3A_256] : memref<125x80x8xf32, #tpu.memory_space<vmem>> -> memref<1x80x8xf32, #tpu.memory_space<vmem>>
      %dma_wait3A_258 = tpu.memref_squeeze %dma_wait3A_257 : memref<1x80x8xf32, #tpu.memory_space<vmem>> -> memref<80x8xf32, #tpu.memory_space<vmem>>
      %dma_wait3A_259 = arith.constant 0 : i32
      %dma_wait3A_260 = arith.constant 0 : i32
      %dma_wait3A_261 = tpu.memref_slice %arg2[%dma_wait3A_259, %dma_wait3A_260] : memref<10240x8xf32, #tpu.memory_space<hbm>> -> memref<80x8xf32, #tpu.memory_space<hbm>>
      tpu.wait_dma2 semaphore(%arg14 : memref<!tpu.dma_semaphore, #tpu.memory_space<semaphore_mem>>) src(%dma_wait3A_261 : memref<80x8xf32, #tpu.memory_space<hbm>>) dst(%dma_wait3A_258 : memref<80x8xf32, #tpu.memory_space<vmem>>)
    }
    %scan3A_240 = arith.constant 129 : i32
    %barrier3A_241 = arith.constant 0 : index
    tpu.barrier barrier_id(%barrier3A_241)
    %eq3A_242 = arith.constant 0 : i32
    %eq3A_243 = arith.cmpi eq, %arg1, %eq3A_242 : i32
    %convert_element_type3A_244 = arith.extui %eq3A_243 : i1 to i32
    %cond3A_245 = arith.constant 0 : i32
    %cond3A_246 = arith.cmpi ne, %convert_element_type3A_244, %cond3A_245 : i32
    scf.if %cond3A_246 {
      "tpu.region"() ({
        %run_scoped3A_247 = tpu.sem_alloc : memref<!tpu.dma_semaphore, #tpu.memory_space<semaphore_mem>>
        %dma_start3A_248 = arith.constant 0 : i32
        %dma_start3A_249 = arith.constant 0 : i32
        %dma_start3A_250 = tpu.memref_slice %arg5[%arg0, %dma_start3A_248, %dma_start3A_249] : memref<2x10240x8xf32, #tpu.memory_space<hbm>> -> memref<1x10240x8xf32, #tpu.memory_space<hbm>>
        %dma_start3A_251 = tpu.memref_squeeze %dma_start3A_250 : memref<1x10240x8xf32, #tpu.memory_space<hbm>> -> memref<10240x8xf32, #tpu.memory_space<hbm>>
        tpu.enqueue_dma source(%arg11 : memref<10240x8xf32, #tpu.memory_space<vmem_shared>>) target(%dma_start3A_251 : memref<10240x8xf32, #tpu.memory_space<hbm>>) target_semaphore(%run_scoped3A_247 : memref<!tpu.dma_semaphore, #tpu.memory_space<semaphore_mem>>)
        %dma_wait3A = arith.constant 0 : i32
        %dma_wait3A_252 = arith.constant 0 : i32
        %dma_wait3A_253 = tpu.memref_slice %arg5[%arg0, %dma_wait3A, %dma_wait3A_252] : memref<2x10240x8xf32, #tpu.memory_space<hbm>> -> memref<1x10240x8xf32, #tpu.memory_space<hbm>>
        %dma_wait3A_254 = tpu.memref_squeeze %dma_wait3A_253 : memref<1x10240x8xf32, #tpu.memory_space<hbm>> -> memref<10240x8xf32, #tpu.memory_space<hbm>>
        tpu.wait_dma2 semaphore(%run_scoped3A_247 : memref<!tpu.dma_semaphore, #tpu.memory_space<semaphore_mem>>) src(%arg11 : memref<10240x8xf32, #tpu.memory_space<vmem_shared>>) dst(%dma_wait3A_254 : memref<10240x8xf32, #tpu.memory_space<hbm>>)
        tpu.yield
      }) : () -> ()
    } else {
    }
    return
  }
}

module attributes {stable_mosaic.version = 14 : i64} {
  func.func @_tc1b_body(%arg0: memref<640x128xf32, #tpu.memory_space<vmem>>, %arg1: memref<2x640x16xf32, #tpu.memory_space<vmem>>, %arg2: memref<16x128xf32, #tpu.memory_space<vmem>>, %arg3: memref<640x128xf32, #tpu.memory_space<vmem>>, %arg4: memref<640x128xf32, #tpu.memory_space<vmem>>) attributes {dimension_semantics = [], scalar_prefetch = 0 : i64, scratch_operands = 0 : i64, tpu.core_type = #tpu.core_type<tc>} {
    %get3A = arith.constant 0 : index
    %get3A_0 = arith.constant 0 : index
    %get3A_1 = arith.constant 0 : index
    %get3A_2 = vector.load %arg1[%get3A, %get3A_0, %get3A_1] : memref<2x640x16xf32, #tpu.memory_space<vmem>>, vector<1x640x16xf32>
    %get3A_3 = vector.shape_cast %get3A_2 : vector<1x640x16xf32> to vector<640x16xf32>
    %get3A_4 = arith.constant 1 : index
    %get3A_5 = arith.constant 0 : index
    %get3A_6 = arith.constant 0 : index
    %get3A_7 = vector.load %arg1[%get3A_4, %get3A_5, %get3A_6] : memref<2x640x16xf32, #tpu.memory_space<vmem>>, vector<1x640x16xf32>
    %get3A_8 = vector.shape_cast %get3A_7 : vector<1x640x16xf32> to vector<640x16xf32>
    %add3A = arith.addf %get3A_3, %get3A_8 : vector<640x16xf32>
    %add3A_9 = arith.constant 1.000000e+00 : f32
    %add3A_10 = vector.broadcast %add3A_9 : f32 to vector<640x16xf32>
    %add3A_11 = arith.addf %add3A, %add3A_10 : vector<640x16xf32>
    %rsqrt3A = math.rsqrt %add3A_11 : vector<640x16xf32>
    %get3A_12 = arith.constant 0 : index
    %get3A_13 = arith.constant 0 : index
    %get3A_14 = vector.load %arg2[%get3A_12, %get3A_13] : memref<16x128xf32, #tpu.memory_space<vmem>>, vector<16x128xf32>
    %dot_general3A = arith.constant dense<0.000000e+00> : vector<640x128xf32>
    %dot_general3A_15 = tpu.matmul %rsqrt3A, %get3A_14, %dot_general3A {dimension_numbers = #tpu.dot_dimension_numbers<[1], [0], [0], [1], [0, 0, 1, 1], [], []>, precision = #tpu.contract_precision<fp32>, transpose_lhs_hint = false} : vector<640x16xf32>, vector<16x128xf32>, vector<640x128xf32> -> vector<640x128xf32>
    %swap3A = arith.constant 0 : index
    %swap3A_16 = arith.constant 0 : index
    %swap3A_17 = vector.load %arg4[%swap3A, %swap3A_16] : memref<640x128xf32, #tpu.memory_space<vmem>>, vector<640x128xf32>
    tpu.vector_store %arg4[%swap3A, %swap3A_16], %dot_general3A_15 {strides = array<i32>} : memref<640x128xf32, #tpu.memory_space<vmem>>, vector<640x128xf32>,
    %get3A_18 = arith.constant 0 : index
    %get3A_19 = arith.constant 0 : index
    %get3A_20 = vector.load %arg0[%get3A_18, %get3A_19] : memref<640x128xf32, #tpu.memory_space<vmem>>, vector<640x128xf32>
    %mul3A = arith.mulf %get3A_20, %dot_general3A_15 : vector<640x128xf32>
    %swap3A_21 = arith.constant 0 : index
    %swap3A_22 = arith.constant 0 : index
    %swap3A_23 = vector.load %arg3[%swap3A_21, %swap3A_22] : memref<640x128xf32, #tpu.memory_space<vmem>>, vector<640x128xf32>
    tpu.vector_store %arg3[%swap3A_21, %swap3A_22], %mul3A {strides = array<i32>} : memref<640x128xf32, #tpu.memory_space<vmem>>, vector<640x128xf32>,
    return
  }
}

module attributes {stable_mosaic.version = 14 : i64} {
  func.func @_tc1a_body(%arg0: memref<625x16x128xf32, #tpu.memory_space<vmem>>, %arg1: memref<128x8xf32, #tpu.memory_space<vmem>>, %arg2: memref<640x128xf32, #tpu.memory_space<vmem>>) attributes {dimension_semantics = [], scalar_prefetch = 0 : i64, scratch_operands = 0 : i64, tpu.core_type = #tpu.core_type<tc>} {
    %get3A = arith.constant 0 : index
    %get3A_0 = arith.constant 0 : index
    %get3A_1 = arith.constant 0 : index
    %get3A_2 = vector.load %arg0[%get3A, %get3A_0, %get3A_1] : memref<625x16x128xf32, #tpu.memory_space<vmem>>, vector<625x1x128xf32>
    %get3A_3 = vector.shape_cast %get3A_2 : vector<625x1x128xf32> to vector<625x128xf32>
    %get3A_4 = arith.constant 0 : index
    %get3A_5 = arith.constant 0 : index
    %get3A_6 = vector.load %arg1[%get3A_4, %get3A_5] : memref<128x8xf32, #tpu.memory_space<vmem>>, vector<128x8xf32>
    %dot_general3A = arith.constant dense<0.000000e+00> : vector<625x8xf32>
    %dot_general3A_7 = tpu.matmul %get3A_3, %get3A_6, %dot_general3A {dimension_numbers = #tpu.dot_dimension_numbers<[1], [0], [0], [1], [0, 0, 1, 1], [], []>, transpose_lhs_hint = false} : vector<625x128xf32>, vector<128x8xf32>, vector<625x8xf32> -> vector<625x8xf32>
    %swap3A = arith.constant 0 : index
    %swap3A_8 = arith.constant 0 : index
    %swap3A_9 = vector.load %arg2[%swap3A, %swap3A_8] : memref<640x128xf32, #tpu.memory_space<vmem>>, vector<625x8xf32>
    tpu.vector_store %arg2[%swap3A, %swap3A_8], %dot_general3A_7 {strides = array<i32>} : memref<640x128xf32, #tpu.memory_space<vmem>>, vector<625x8xf32>,
    %broadcast_in_dim3A = arith.constant 0.000000e+00 : f32
    %broadcast_in_dim3A_10 = vector.broadcast %broadcast_in_dim3A : f32 to vector<15x8xf32>
    %swap3A_11 = arith.constant 625 : index
    %swap3A_12 = arith.constant 0 : index
    %swap3A_13 = vector.load %arg2[%swap3A_11, %swap3A_12] : memref<640x128xf32, #tpu.memory_space<vmem>>, vector<15x8xf32>
    tpu.vector_store %arg2[%swap3A_11, %swap3A_12], %broadcast_in_dim3A_10 {strides = array<i32>} : memref<640x128xf32, #tpu.memory_space<vmem>>, vector<15x8xf32>,
    %get3A_14 = arith.constant 0 : index
    %get3A_15 = arith.constant 1 : index
    %get3A_16 = arith.constant 0 : index
    %get3A_17 = vector.load %arg0[%get3A_14, %get3A_15, %get3A_16] : memref<625x16x128xf32, #tpu.memory_space<vmem>>, vector<625x1x128xf32>
    %get3A_18 = vector.shape_cast %get3A_17 : vector<625x1x128xf32> to vector<625x128xf32>
    %get3A_19 = arith.constant 0 : index
    %get3A_20 = arith.constant 0 : index
    %get3A_21 = vector.load %arg1[%get3A_19, %get3A_20] : memref<128x8xf32, #tpu.memory_space<vmem>>, vector<128x8xf32>
    %dot_general3A_22 = arith.constant dense<0.000000e+00> : vector<625x8xf32>
    %dot_general3A_23 = tpu.matmul %get3A_18, %get3A_21, %dot_general3A_22 {dimension_numbers = #tpu.dot_dimension_numbers<[1], [0], [0], [1], [0, 0, 1, 1], [], []>, transpose_lhs_hint = false} : vector<625x128xf32>, vector<128x8xf32>, vector<625x8xf32> -> vector<625x8xf32>
    %swap3A_24 = arith.constant 0 : index
    %swap3A_25 = arith.constant 8 : index
    %swap3A_26 = vector.load %arg2[%swap3A_24, %swap3A_25] : memref<640x128xf32, #tpu.memory_space<vmem>>, vector<625x8xf32>
    tpu.vector_store %arg2[%swap3A_24, %swap3A_25], %dot_general3A_23 {strides = array<i32>} : memref<640x128xf32, #tpu.memory_space<vmem>>, vector<625x8xf32>,
    %broadcast_in_dim3A_27 = arith.constant 0.000000e+00 : f32
    %broadcast_in_dim3A_28 = vector.broadcast %broadcast_in_dim3A_27 : f32 to vector<15x8xf32>
    %swap3A_29 = arith.constant 625 : index
    %swap3A_30 = arith.constant 8 : index
    %swap3A_31 = vector.load %arg2[%swap3A_29, %swap3A_30] : memref<640x128xf32, #tpu.memory_space<vmem>>, vector<15x8xf32>
    tpu.vector_store %arg2[%swap3A_29, %swap3A_30], %broadcast_in_dim3A_28 {strides = array<i32>} : memref<640x128xf32, #tpu.memory_space<vmem>>, vector<15x8xf32>,
    %get3A_32 = arith.constant 0 : index
    %get3A_33 = arith.constant 2 : index
    %get3A_34 = arith.constant 0 : index
    %get3A_35 = vector.load %arg0[%get3A_32, %get3A_33, %get3A_34] : memref<625x16x128xf32, #tpu.memory_space<vmem>>, vector<625x1x128xf32>
    %get3A_36 = vector.shape_cast %get3A_35 : vector<625x1x128xf32> to vector<625x128xf32>
    %get3A_37 = arith.constant 0 : index
    %get3A_38 = arith.constant 0 : index
    %get3A_39 = vector.load %arg1[%get3A_37, %get3A_38] : memref<128x8xf32, #tpu.memory_space<vmem>>, vector<128x8xf32>
    %dot_general3A_40 = arith.constant dense<0.000000e+00> : vector<625x8xf32>
    %dot_general3A_41 = tpu.matmul %get3A_36, %get3A_39, %dot_general3A_40 {dimension_numbers = #tpu.dot_dimension_numbers<[1], [0], [0], [1], [0, 0, 1, 1], [], []>, transpose_lhs_hint = false} : vector<625x128xf32>, vector<128x8xf32>, vector<625x8xf32> -> vector<625x8xf32>
    %swap3A_42 = arith.constant 0 : index
    %swap3A_43 = arith.constant 16 : index
    %swap3A_44 = vector.load %arg2[%swap3A_42, %swap3A_43] : memref<640x128xf32, #tpu.memory_space<vmem>>, vector<625x8xf32>
    tpu.vector_store %arg2[%swap3A_42, %swap3A_43], %dot_general3A_41 {strides = array<i32>} : memref<640x128xf32, #tpu.memory_space<vmem>>, vector<625x8xf32>,
    %broadcast_in_dim3A_45 = arith.constant 0.000000e+00 : f32
    %broadcast_in_dim3A_46 = vector.broadcast %broadcast_in_dim3A_45 : f32 to vector<15x8xf32>
    %swap3A_47 = arith.constant 625 : index
    %swap3A_48 = arith.constant 16 : index
    %swap3A_49 = vector.load %arg2[%swap3A_47, %swap3A_48] : memref<640x128xf32, #tpu.memory_space<vmem>>, vector<15x8xf32>
    tpu.vector_store %arg2[%swap3A_47, %swap3A_48], %broadcast_in_dim3A_46 {strides = array<i32>} : memref<640x128xf32, #tpu.memory_space<vmem>>, vector<15x8xf32>,
    %get3A_50 = arith.constant 0 : index
    %get3A_51 = arith.constant 3 : index
    %get3A_52 = arith.constant 0 : index
    %get3A_53 = vector.load %arg0[%get3A_50, %get3A_51, %get3A_52] : memref<625x16x128xf32, #tpu.memory_space<vmem>>, vector<625x1x128xf32>
    %get3A_54 = vector.shape_cast %get3A_53 : vector<625x1x128xf32> to vector<625x128xf32>
    %get3A_55 = arith.constant 0 : index
    %get3A_56 = arith.constant 0 : index
    %get3A_57 = vector.load %arg1[%get3A_55, %get3A_56] : memref<128x8xf32, #tpu.memory_space<vmem>>, vector<128x8xf32>
    %dot_general3A_58 = arith.constant dense<0.000000e+00> : vector<625x8xf32>
    %dot_general3A_59 = tpu.matmul %get3A_54, %get3A_57, %dot_general3A_58 {dimension_numbers = #tpu.dot_dimension_numbers<[1], [0], [0], [1], [0, 0, 1, 1], [], []>, transpose_lhs_hint = false} : vector<625x128xf32>, vector<128x8xf32>, vector<625x8xf32> -> vector<625x8xf32>
    %swap3A_60 = arith.constant 0 : index
    %swap3A_61 = arith.constant 24 : index
    %swap3A_62 = vector.load %arg2[%swap3A_60, %swap3A_61] : memref<640x128xf32, #tpu.memory_space<vmem>>, vector<625x8xf32>
    tpu.vector_store %arg2[%swap3A_60, %swap3A_61], %dot_general3A_59 {strides = array<i32>} : memref<640x128xf32, #tpu.memory_space<vmem>>, vector<625x8xf32>,
    %broadcast_in_dim3A_63 = arith.constant 0.000000e+00 : f32
    %broadcast_in_dim3A_64 = vector.broadcast %broadcast_in_dim3A_63 : f32 to vector<15x8xf32>
    %swap3A_65 = arith.constant 625 : index
    %swap3A_66 = arith.constant 24 : index
    %swap3A_67 = vector.load %arg2[%swap3A_65, %swap3A_66] : memref<640x128xf32, #tpu.memory_space<vmem>>, vector<15x8xf32>
    tpu.vector_store %arg2[%swap3A_65, %swap3A_66], %broadcast_in_dim3A_64 {strides = array<i32>} : memref<640x128xf32, #tpu.memory_space<vmem>>, vector<15x8xf32>,
    %get3A_68 = arith.constant 0 : index
    %get3A_69 = arith.constant 4 : index
    %get3A_70 = arith.constant 0 : index
    %get3A_71 = vector.load %arg0[%get3A_68, %get3A_69, %get3A_70] : memref<625x16x128xf32, #tpu.memory_space<vmem>>, vector<625x1x128xf32>
    %get3A_72 = vector.shape_cast %get3A_71 : vector<625x1x128xf32> to vector<625x128xf32>
    %get3A_73 = arith.constant 0 : index
    %get3A_74 = arith.constant 0 : index
    %get3A_75 = vector.load %arg1[%get3A_73, %get3A_74] : memref<128x8xf32, #tpu.memory_space<vmem>>, vector<128x8xf32>
    %dot_general3A_76 = arith.constant dense<0.000000e+00> : vector<625x8xf32>
    %dot_general3A_77 = tpu.matmul %get3A_72, %get3A_75, %dot_general3A_76 {dimension_numbers = #tpu.dot_dimension_numbers<[1], [0], [0], [1], [0, 0, 1, 1], [], []>, transpose_lhs_hint = false} : vector<625x128xf32>, vector<128x8xf32>, vector<625x8xf32> -> vector<625x8xf32>
    %swap3A_78 = arith.constant 0 : index
    %swap3A_79 = arith.constant 32 : index
    %swap3A_80 = vector.load %arg2[%swap3A_78, %swap3A_79] : memref<640x128xf32, #tpu.memory_space<vmem>>, vector<625x8xf32>
    tpu.vector_store %arg2[%swap3A_78, %swap3A_79], %dot_general3A_77 {strides = array<i32>} : memref<640x128xf32, #tpu.memory_space<vmem>>, vector<625x8xf32>,
    %broadcast_in_dim3A_81 = arith.constant 0.000000e+00 : f32
    %broadcast_in_dim3A_82 = vector.broadcast %broadcast_in_dim3A_81 : f32 to vector<15x8xf32>
    %swap3A_83 = arith.constant 625 : index
    %swap3A_84 = arith.constant 32 : index
    %swap3A_85 = vector.load %arg2[%swap3A_83, %swap3A_84] : memref<640x128xf32, #tpu.memory_space<vmem>>, vector<15x8xf32>
    tpu.vector_store %arg2[%swap3A_83, %swap3A_84], %broadcast_in_dim3A_82 {strides = array<i32>} : memref<640x128xf32, #tpu.memory_space<vmem>>, vector<15x8xf32>,
    %get3A_86 = arith.constant 0 : index
    %get3A_87 = arith.constant 5 : index
    %get3A_88 = arith.constant 0 : index
    %get3A_89 = vector.load %arg0[%get3A_86, %get3A_87, %get3A_88] : memref<625x16x128xf32, #tpu.memory_space<vmem>>, vector<625x1x128xf32>
    %get3A_90 = vector.shape_cast %get3A_89 : vector<625x1x128xf32> to vector<625x128xf32>
    %get3A_91 = arith.constant 0 : index
    %get3A_92 = arith.constant 0 : index
    %get3A_93 = vector.load %arg1[%get3A_91, %get3A_92] : memref<128x8xf32, #tpu.memory_space<vmem>>, vector<128x8xf32>
    %dot_general3A_94 = arith.constant dense<0.000000e+00> : vector<625x8xf32>
    %dot_general3A_95 = tpu.matmul %get3A_90, %get3A_93, %dot_general3A_94 {dimension_numbers = #tpu.dot_dimension_numbers<[1], [0], [0], [1], [0, 0, 1, 1], [], []>, transpose_lhs_hint = false} : vector<625x128xf32>, vector<128x8xf32>, vector<625x8xf32> -> vector<625x8xf32>
    %swap3A_96 = arith.constant 0 : index
    %swap3A_97 = arith.constant 40 : index
    %swap3A_98 = vector.load %arg2[%swap3A_96, %swap3A_97] : memref<640x128xf32, #tpu.memory_space<vmem>>, vector<625x8xf32>
    tpu.vector_store %arg2[%swap3A_96, %swap3A_97], %dot_general3A_95 {strides = array<i32>} : memref<640x128xf32, #tpu.memory_space<vmem>>, vector<625x8xf32>,
    %broadcast_in_dim3A_99 = arith.constant 0.000000e+00 : f32
    %broadcast_in_dim3A_100 = vector.broadcast %broadcast_in_dim3A_99 : f32 to vector<15x8xf32>
    %swap3A_101 = arith.constant 625 : index
    %swap3A_102 = arith.constant 40 : index
    %swap3A_103 = vector.load %arg2[%swap3A_101, %swap3A_102] : memref<640x128xf32, #tpu.memory_space<vmem>>, vector<15x8xf32>
    tpu.vector_store %arg2[%swap3A_101, %swap3A_102], %broadcast_in_dim3A_100 {strides = array<i32>} : memref<640x128xf32, #tpu.memory_space<vmem>>, vector<15x8xf32>,
    %get3A_104 = arith.constant 0 : index
    %get3A_105 = arith.constant 6 : index
    %get3A_106 = arith.constant 0 : index
    %get3A_107 = vector.load %arg0[%get3A_104, %get3A_105, %get3A_106] : memref<625x16x128xf32, #tpu.memory_space<vmem>>, vector<625x1x128xf32>
    %get3A_108 = vector.shape_cast %get3A_107 : vector<625x1x128xf32> to vector<625x128xf32>
    %get3A_109 = arith.constant 0 : index
    %get3A_110 = arith.constant 0 : index
    %get3A_111 = vector.load %arg1[%get3A_109, %get3A_110] : memref<128x8xf32, #tpu.memory_space<vmem>>, vector<128x8xf32>
    %dot_general3A_112 = arith.constant dense<0.000000e+00> : vector<625x8xf32>
    %dot_general3A_113 = tpu.matmul %get3A_108, %get3A_111, %dot_general3A_112 {dimension_numbers = #tpu.dot_dimension_numbers<[1], [0], [0], [1], [0, 0, 1, 1], [], []>, transpose_lhs_hint = false} : vector<625x128xf32>, vector<128x8xf32>, vector<625x8xf32> -> vector<625x8xf32>
    %swap3A_114 = arith.constant 0 : index
    %swap3A_115 = arith.constant 48 : index
    %swap3A_116 = vector.load %arg2[%swap3A_114, %swap3A_115] : memref<640x128xf32, #tpu.memory_space<vmem>>, vector<625x8xf32>
    tpu.vector_store %arg2[%swap3A_114, %swap3A_115], %dot_general3A_113 {strides = array<i32>} : memref<640x128xf32, #tpu.memory_space<vmem>>, vector<625x8xf32>,
    %broadcast_in_dim3A_117 = arith.constant 0.000000e+00 : f32
    %broadcast_in_dim3A_118 = vector.broadcast %broadcast_in_dim3A_117 : f32 to vector<15x8xf32>
    %swap3A_119 = arith.constant 625 : index
    %swap3A_120 = arith.constant 48 : index
    %swap3A_121 = vector.load %arg2[%swap3A_119, %swap3A_120] : memref<640x128xf32, #tpu.memory_space<vmem>>, vector<15x8xf32>
    tpu.vector_store %arg2[%swap3A_119, %swap3A_120], %broadcast_in_dim3A_118 {strides = array<i32>} : memref<640x128xf32, #tpu.memory_space<vmem>>, vector<15x8xf32>,
    %get3A_122 = arith.constant 0 : index
    %get3A_123 = arith.constant 7 : index
    %get3A_124 = arith.constant 0 : index
    %get3A_125 = vector.load %arg0[%get3A_122, %get3A_123, %get3A_124] : memref<625x16x128xf32, #tpu.memory_space<vmem>>, vector<625x1x128xf32>
    %get3A_126 = vector.shape_cast %get3A_125 : vector<625x1x128xf32> to vector<625x128xf32>
    %get3A_127 = arith.constant 0 : index
    %get3A_128 = arith.constant 0 : index
    %get3A_129 = vector.load %arg1[%get3A_127, %get3A_128] : memref<128x8xf32, #tpu.memory_space<vmem>>, vector<128x8xf32>
    %dot_general3A_130 = arith.constant dense<0.000000e+00> : vector<625x8xf32>
    %dot_general3A_131 = tpu.matmul %get3A_126, %get3A_129, %dot_general3A_130 {dimension_numbers = #tpu.dot_dimension_numbers<[1], [0], [0], [1], [0, 0, 1, 1], [], []>, transpose_lhs_hint = false} : vector<625x128xf32>, vector<128x8xf32>, vector<625x8xf32> -> vector<625x8xf32>
    %swap3A_132 = arith.constant 0 : index
    %swap3A_133 = arith.constant 56 : index
    %swap3A_134 = vector.load %arg2[%swap3A_132, %swap3A_133] : memref<640x128xf32, #tpu.memory_space<vmem>>, vector<625x8xf32>
    tpu.vector_store %arg2[%swap3A_132, %swap3A_133], %dot_general3A_131 {strides = array<i32>} : memref<640x128xf32, #tpu.memory_space<vmem>>, vector<625x8xf32>,
    %broadcast_in_dim3A_135 = arith.constant 0.000000e+00 : f32
    %broadcast_in_dim3A_136 = vector.broadcast %broadcast_in_dim3A_135 : f32 to vector<15x8xf32>
    %swap3A_137 = arith.constant 625 : index
    %swap3A_138 = arith.constant 56 : index
    %swap3A_139 = vector.load %arg2[%swap3A_137, %swap3A_138] : memref<640x128xf32, #tpu.memory_space<vmem>>, vector<15x8xf32>
    tpu.vector_store %arg2[%swap3A_137, %swap3A_138], %broadcast_in_dim3A_136 {strides = array<i32>} : memref<640x128xf32, #tpu.memory_space<vmem>>, vector<15x8xf32>,
    %get3A_140 = arith.constant 0 : index
    %get3A_141 = arith.constant 8 : index
    %get3A_142 = arith.constant 0 : index
    %get3A_143 = vector.load %arg0[%get3A_140, %get3A_141, %get3A_142] : memref<625x16x128xf32, #tpu.memory_space<vmem>>, vector<625x1x128xf32>
    %get3A_144 = vector.shape_cast %get3A_143 : vector<625x1x128xf32> to vector<625x128xf32>
    %get3A_145 = arith.constant 0 : index
    %get3A_146 = arith.constant 0 : index
    %get3A_147 = vector.load %arg1[%get3A_145, %get3A_146] : memref<128x8xf32, #tpu.memory_space<vmem>>, vector<128x8xf32>
    %dot_general3A_148 = arith.constant dense<0.000000e+00> : vector<625x8xf32>
    %dot_general3A_149 = tpu.matmul %get3A_144, %get3A_147, %dot_general3A_148 {dimension_numbers = #tpu.dot_dimension_numbers<[1], [0], [0], [1], [0, 0, 1, 1], [], []>, transpose_lhs_hint = false} : vector<625x128xf32>, vector<128x8xf32>, vector<625x8xf32> -> vector<625x8xf32>
    %swap3A_150 = arith.constant 0 : index
    %swap3A_151 = arith.constant 64 : index
    %swap3A_152 = vector.load %arg2[%swap3A_150, %swap3A_151] : memref<640x128xf32, #tpu.memory_space<vmem>>, vector<625x8xf32>
    tpu.vector_store %arg2[%swap3A_150, %swap3A_151], %dot_general3A_149 {strides = array<i32>} : memref<640x128xf32, #tpu.memory_space<vmem>>, vector<625x8xf32>,
    %broadcast_in_dim3A_153 = arith.constant 0.000000e+00 : f32
    %broadcast_in_dim3A_154 = vector.broadcast %broadcast_in_dim3A_153 : f32 to vector<15x8xf32>
    %swap3A_155 = arith.constant 625 : index
    %swap3A_156 = arith.constant 64 : index
    %swap3A_157 = vector.load %arg2[%swap3A_155, %swap3A_156] : memref<640x128xf32, #tpu.memory_space<vmem>>, vector<15x8xf32>
    tpu.vector_store %arg2[%swap3A_155, %swap3A_156], %broadcast_in_dim3A_154 {strides = array<i32>} : memref<640x128xf32, #tpu.memory_space<vmem>>, vector<15x8xf32>,
    %get3A_158 = arith.constant 0 : index
    %get3A_159 = arith.constant 9 : index
    %get3A_160 = arith.constant 0 : index
    %get3A_161 = vector.load %arg0[%get3A_158, %get3A_159, %get3A_160] : memref<625x16x128xf32, #tpu.memory_space<vmem>>, vector<625x1x128xf32>
    %get3A_162 = vector.shape_cast %get3A_161 : vector<625x1x128xf32> to vector<625x128xf32>
    %get3A_163 = arith.constant 0 : index
    %get3A_164 = arith.constant 0 : index
    %get3A_165 = vector.load %arg1[%get3A_163, %get3A_164] : memref<128x8xf32, #tpu.memory_space<vmem>>, vector<128x8xf32>
    %dot_general3A_166 = arith.constant dense<0.000000e+00> : vector<625x8xf32>
    %dot_general3A_167 = tpu.matmul %get3A_162, %get3A_165, %dot_general3A_166 {dimension_numbers = #tpu.dot_dimension_numbers<[1], [0], [0], [1], [0, 0, 1, 1], [], []>, transpose_lhs_hint = false} : vector<625x128xf32>, vector<128x8xf32>, vector<625x8xf32> -> vector<625x8xf32>
    %swap3A_168 = arith.constant 0 : index
    %swap3A_169 = arith.constant 72 : index
    %swap3A_170 = vector.load %arg2[%swap3A_168, %swap3A_169] : memref<640x128xf32, #tpu.memory_space<vmem>>, vector<625x8xf32>
    tpu.vector_store %arg2[%swap3A_168, %swap3A_169], %dot_general3A_167 {strides = array<i32>} : memref<640x128xf32, #tpu.memory_space<vmem>>, vector<625x8xf32>,
    %broadcast_in_dim3A_171 = arith.constant 0.000000e+00 : f32
    %broadcast_in_dim3A_172 = vector.broadcast %broadcast_in_dim3A_171 : f32 to vector<15x8xf32>
    %swap3A_173 = arith.constant 625 : index
    %swap3A_174 = arith.constant 72 : index
    %swap3A_175 = vector.load %arg2[%swap3A_173, %swap3A_174] : memref<640x128xf32, #tpu.memory_space<vmem>>, vector<15x8xf32>
    tpu.vector_store %arg2[%swap3A_173, %swap3A_174], %broadcast_in_dim3A_172 {strides = array<i32>} : memref<640x128xf32, #tpu.memory_space<vmem>>, vector<15x8xf32>,
    %get3A_176 = arith.constant 0 : index
    %get3A_177 = arith.constant 10 : index
    %get3A_178 = arith.constant 0 : index
    %get3A_179 = vector.load %arg0[%get3A_176, %get3A_177, %get3A_178] : memref<625x16x128xf32, #tpu.memory_space<vmem>>, vector<625x1x128xf32>
    %get3A_180 = vector.shape_cast %get3A_179 : vector<625x1x128xf32> to vector<625x128xf32>
    %get3A_181 = arith.constant 0 : index
    %get3A_182 = arith.constant 0 : index
    %get3A_183 = vector.load %arg1[%get3A_181, %get3A_182] : memref<128x8xf32, #tpu.memory_space<vmem>>, vector<128x8xf32>
    %dot_general3A_184 = arith.constant dense<0.000000e+00> : vector<625x8xf32>
    %dot_general3A_185 = tpu.matmul %get3A_180, %get3A_183, %dot_general3A_184 {dimension_numbers = #tpu.dot_dimension_numbers<[1], [0], [0], [1], [0, 0, 1, 1], [], []>, transpose_lhs_hint = false} : vector<625x128xf32>, vector<128x8xf32>, vector<625x8xf32> -> vector<625x8xf32>
    %swap3A_186 = arith.constant 0 : index
    %swap3A_187 = arith.constant 80 : index
    %swap3A_188 = vector.load %arg2[%swap3A_186, %swap3A_187] : memref<640x128xf32, #tpu.memory_space<vmem>>, vector<625x8xf32>
    tpu.vector_store %arg2[%swap3A_186, %swap3A_187], %dot_general3A_185 {strides = array<i32>} : memref<640x128xf32, #tpu.memory_space<vmem>>, vector<625x8xf32>,
    %broadcast_in_dim3A_189 = arith.constant 0.000000e+00 : f32
    %broadcast_in_dim3A_190 = vector.broadcast %broadcast_in_dim3A_189 : f32 to vector<15x8xf32>
    %swap3A_191 = arith.constant 625 : index
    %swap3A_192 = arith.constant 80 : index
    %swap3A_193 = vector.load %arg2[%swap3A_191, %swap3A_192] : memref<640x128xf32, #tpu.memory_space<vmem>>, vector<15x8xf32>
    tpu.vector_store %arg2[%swap3A_191, %swap3A_192], %broadcast_in_dim3A_190 {strides = array<i32>} : memref<640x128xf32, #tpu.memory_space<vmem>>, vector<15x8xf32>,
    %get3A_194 = arith.constant 0 : index
    %get3A_195 = arith.constant 11 : index
    %get3A_196 = arith.constant 0 : index
    %get3A_197 = vector.load %arg0[%get3A_194, %get3A_195, %get3A_196] : memref<625x16x128xf32, #tpu.memory_space<vmem>>, vector<625x1x128xf32>
    %get3A_198 = vector.shape_cast %get3A_197 : vector<625x1x128xf32> to vector<625x128xf32>
    %get3A_199 = arith.constant 0 : index
    %get3A_200 = arith.constant 0 : index
    %get3A_201 = vector.load %arg1[%get3A_199, %get3A_200] : memref<128x8xf32, #tpu.memory_space<vmem>>, vector<128x8xf32>
    %dot_general3A_202 = arith.constant dense<0.000000e+00> : vector<625x8xf32>
    %dot_general3A_203 = tpu.matmul %get3A_198, %get3A_201, %dot_general3A_202 {dimension_numbers = #tpu.dot_dimension_numbers<[1], [0], [0], [1], [0, 0, 1, 1], [], []>, transpose_lhs_hint = false} : vector<625x128xf32>, vector<128x8xf32>, vector<625x8xf32> -> vector<625x8xf32>
    %swap3A_204 = arith.constant 0 : index
    %swap3A_205 = arith.constant 88 : index
    %swap3A_206 = vector.load %arg2[%swap3A_204, %swap3A_205] : memref<640x128xf32, #tpu.memory_space<vmem>>, vector<625x8xf32>
    tpu.vector_store %arg2[%swap3A_204, %swap3A_205], %dot_general3A_203 {strides = array<i32>} : memref<640x128xf32, #tpu.memory_space<vmem>>, vector<625x8xf32>,
    %broadcast_in_dim3A_207 = arith.constant 0.000000e+00 : f32
    %broadcast_in_dim3A_208 = vector.broadcast %broadcast_in_dim3A_207 : f32 to vector<15x8xf32>
    %swap3A_209 = arith.constant 625 : index
    %swap3A_210 = arith.constant 88 : index
    %swap3A_211 = vector.load %arg2[%swap3A_209, %swap3A_210] : memref<640x128xf32, #tpu.memory_space<vmem>>, vector<15x8xf32>
    tpu.vector_store %arg2[%swap3A_209, %swap3A_210], %broadcast_in_dim3A_208 {strides = array<i32>} : memref<640x128xf32, #tpu.memory_space<vmem>>, vector<15x8xf32>,
    %get3A_212 = arith.constant 0 : index
    %get3A_213 = arith.constant 12 : index
    %get3A_214 = arith.constant 0 : index
    %get3A_215 = vector.load %arg0[%get3A_212, %get3A_213, %get3A_214] : memref<625x16x128xf32, #tpu.memory_space<vmem>>, vector<625x1x128xf32>
    %get3A_216 = vector.shape_cast %get3A_215 : vector<625x1x128xf32> to vector<625x128xf32>
    %get3A_217 = arith.constant 0 : index
    %get3A_218 = arith.constant 0 : index
    %get3A_219 = vector.load %arg1[%get3A_217, %get3A_218] : memref<128x8xf32, #tpu.memory_space<vmem>>, vector<128x8xf32>
    %dot_general3A_220 = arith.constant dense<0.000000e+00> : vector<625x8xf32>
    %dot_general3A_221 = tpu.matmul %get3A_216, %get3A_219, %dot_general3A_220 {dimension_numbers = #tpu.dot_dimension_numbers<[1], [0], [0], [1], [0, 0, 1, 1], [], []>, transpose_lhs_hint = false} : vector<625x128xf32>, vector<128x8xf32>, vector<625x8xf32> -> vector<625x8xf32>
    %swap3A_222 = arith.constant 0 : index
    %swap3A_223 = arith.constant 96 : index
    %swap3A_224 = vector.load %arg2[%swap3A_222, %swap3A_223] : memref<640x128xf32, #tpu.memory_space<vmem>>, vector<625x8xf32>
    tpu.vector_store %arg2[%swap3A_222, %swap3A_223], %dot_general3A_221 {strides = array<i32>} : memref<640x128xf32, #tpu.memory_space<vmem>>, vector<625x8xf32>,
    %broadcast_in_dim3A_225 = arith.constant 0.000000e+00 : f32
    %broadcast_in_dim3A_226 = vector.broadcast %broadcast_in_dim3A_225 : f32 to vector<15x8xf32>
    %swap3A_227 = arith.constant 625 : index
    %swap3A_228 = arith.constant 96 : index
    %swap3A_229 = vector.load %arg2[%swap3A_227, %swap3A_228] : memref<640x128xf32, #tpu.memory_space<vmem>>, vector<15x8xf32>
    tpu.vector_store %arg2[%swap3A_227, %swap3A_228], %broadcast_in_dim3A_226 {strides = array<i32>} : memref<640x128xf32, #tpu.memory_space<vmem>>, vector<15x8xf32>,
    %get3A_230 = arith.constant 0 : index
    %get3A_231 = arith.constant 13 : index
    %get3A_232 = arith.constant 0 : index
    %get3A_233 = vector.load %arg0[%get3A_230, %get3A_231, %get3A_232] : memref<625x16x128xf32, #tpu.memory_space<vmem>>, vector<625x1x128xf32>
    %get3A_234 = vector.shape_cast %get3A_233 : vector<625x1x128xf32> to vector<625x128xf32>
    %get3A_235 = arith.constant 0 : index
    %get3A_236 = arith.constant 0 : index
    %get3A_237 = vector.load %arg1[%get3A_235, %get3A_236] : memref<128x8xf32, #tpu.memory_space<vmem>>, vector<128x8xf32>
    %dot_general3A_238 = arith.constant dense<0.000000e+00> : vector<625x8xf32>
    %dot_general3A_239 = tpu.matmul %get3A_234, %get3A_237, %dot_general3A_238 {dimension_numbers = #tpu.dot_dimension_numbers<[1], [0], [0], [1], [0, 0, 1, 1], [], []>, transpose_lhs_hint = false} : vector<625x128xf32>, vector<128x8xf32>, vector<625x8xf32> -> vector<625x8xf32>
    %swap3A_240 = arith.constant 0 : index
    %swap3A_241 = arith.constant 104 : index
    %swap3A_242 = vector.load %arg2[%swap3A_240, %swap3A_241] : memref<640x128xf32, #tpu.memory_space<vmem>>, vector<625x8xf32>
    tpu.vector_store %arg2[%swap3A_240, %swap3A_241], %dot_general3A_239 {strides = array<i32>} : memref<640x128xf32, #tpu.memory_space<vmem>>, vector<625x8xf32>,
    %broadcast_in_dim3A_243 = arith.constant 0.000000e+00 : f32
    %broadcast_in_dim3A_244 = vector.broadcast %broadcast_in_dim3A_243 : f32 to vector<15x8xf32>
    %swap3A_245 = arith.constant 625 : index
    %swap3A_246 = arith.constant 104 : index
    %swap3A_247 = vector.load %arg2[%swap3A_245, %swap3A_246] : memref<640x128xf32, #tpu.memory_space<vmem>>, vector<15x8xf32>
    tpu.vector_store %arg2[%swap3A_245, %swap3A_246], %broadcast_in_dim3A_244 {strides = array<i32>} : memref<640x128xf32, #tpu.memory_space<vmem>>, vector<15x8xf32>,
    %get3A_248 = arith.constant 0 : index
    %get3A_249 = arith.constant 14 : index
    %get3A_250 = arith.constant 0 : index
    %get3A_251 = vector.load %arg0[%get3A_248, %get3A_249, %get3A_250] : memref<625x16x128xf32, #tpu.memory_space<vmem>>, vector<625x1x128xf32>
    %get3A_252 = vector.shape_cast %get3A_251 : vector<625x1x128xf32> to vector<625x128xf32>
    %get3A_253 = arith.constant 0 : index
    %get3A_254 = arith.constant 0 : index
    %get3A_255 = vector.load %arg1[%get3A_253, %get3A_254] : memref<128x8xf32, #tpu.memory_space<vmem>>, vector<128x8xf32>
    %dot_general3A_256 = arith.constant dense<0.000000e+00> : vector<625x8xf32>
    %dot_general3A_257 = tpu.matmul %get3A_252, %get3A_255, %dot_general3A_256 {dimension_numbers = #tpu.dot_dimension_numbers<[1], [0], [0], [1], [0, 0, 1, 1], [], []>, transpose_lhs_hint = false} : vector<625x128xf32>, vector<128x8xf32>, vector<625x8xf32> -> vector<625x8xf32>
    %swap3A_258 = arith.constant 0 : index
    %swap3A_259 = arith.constant 112 : index
    %swap3A_260 = vector.load %arg2[%swap3A_258, %swap3A_259] : memref<640x128xf32, #tpu.memory_space<vmem>>, vector<625x8xf32>
    tpu.vector_store %arg2[%swap3A_258, %swap3A_259], %dot_general3A_257 {strides = array<i32>} : memref<640x128xf32, #tpu.memory_space<vmem>>, vector<625x8xf32>,
    %broadcast_in_dim3A_261 = arith.constant 0.000000e+00 : f32
    %broadcast_in_dim3A_262 = vector.broadcast %broadcast_in_dim3A_261 : f32 to vector<15x8xf32>
    %swap3A_263 = arith.constant 625 : index
    %swap3A_264 = arith.constant 112 : index
    %swap3A_265 = vector.load %arg2[%swap3A_263, %swap3A_264] : memref<640x128xf32, #tpu.memory_space<vmem>>, vector<15x8xf32>
    tpu.vector_store %arg2[%swap3A_263, %swap3A_264], %broadcast_in_dim3A_262 {strides = array<i32>} : memref<640x128xf32, #tpu.memory_space<vmem>>, vector<15x8xf32>,
    %get3A_266 = arith.constant 0 : index
    %get3A_267 = arith.constant 15 : index
    %get3A_268 = arith.constant 0 : index
    %get3A_269 = vector.load %arg0[%get3A_266, %get3A_267, %get3A_268] : memref<625x16x128xf32, #tpu.memory_space<vmem>>, vector<625x1x128xf32>
    %get3A_270 = vector.shape_cast %get3A_269 : vector<625x1x128xf32> to vector<625x128xf32>
    %get3A_271 = arith.constant 0 : index
    %get3A_272 = arith.constant 0 : index
    %get3A_273 = vector.load %arg1[%get3A_271, %get3A_272] : memref<128x8xf32, #tpu.memory_space<vmem>>, vector<128x8xf32>
    %dot_general3A_274 = arith.constant dense<0.000000e+00> : vector<625x8xf32>
    %dot_general3A_275 = tpu.matmul %get3A_270, %get3A_273, %dot_general3A_274 {dimension_numbers = #tpu.dot_dimension_numbers<[1], [0], [0], [1], [0, 0, 1, 1], [], []>, transpose_lhs_hint = false} : vector<625x128xf32>, vector<128x8xf32>, vector<625x8xf32> -> vector<625x8xf32>
    %swap3A_276 = arith.constant 0 : index
    %swap3A_277 = arith.constant 120 : index
    %swap3A_278 = vector.load %arg2[%swap3A_276, %swap3A_277] : memref<640x128xf32, #tpu.memory_space<vmem>>, vector<625x8xf32>
    tpu.vector_store %arg2[%swap3A_276, %swap3A_277], %dot_general3A_275 {strides = array<i32>} : memref<640x128xf32, #tpu.memory_space<vmem>>, vector<625x8xf32>,
    %broadcast_in_dim3A_279 = arith.constant 0.000000e+00 : f32
    %broadcast_in_dim3A_280 = vector.broadcast %broadcast_in_dim3A_279 : f32 to vector<15x8xf32>
    %swap3A_281 = arith.constant 625 : index
    %swap3A_282 = arith.constant 120 : index
    %swap3A_283 = vector.load %arg2[%swap3A_281, %swap3A_282] : memref<640x128xf32, #tpu.memory_space<vmem>>, vector<15x8xf32>
    tpu.vector_store %arg2[%swap3A_281, %swap3A_282], %broadcast_in_dim3A_280 {strides = array<i32>} : memref<640x128xf32, #tpu.memory_space<vmem>>, vector<15x8xf32>,
    return
  }
}

module attributes {stable_mosaic.version = 14 : i64} {
  func.func @_tc2_body(%arg0: memref<2x640x128xf32, #tpu.memory_space<vmem>>, %arg1: memref<640x128xf32, #tpu.memory_space<vmem>>, %arg2: memref<1x128xf32, #tpu.memory_space<vmem>>, %arg3: memref<128x128xf32, #tpu.memory_space<vmem>>, %arg4: memref<640x128xf32, #tpu.memory_space<vmem>>) attributes {dimension_semantics = [], scalar_prefetch = 0 : i64, scratch_operands = 0 : i64, tpu.core_type = #tpu.core_type<tc>} {
    %get3A = arith.constant 0 : index
    %get3A_0 = arith.constant 0 : index
    %get3A_1 = vector.load %arg1[%get3A, %get3A_0] : memref<640x128xf32, #tpu.memory_space<vmem>>, vector<640x128xf32>
    %get3A_2 = arith.constant 0 : index
    %get3A_3 = arith.constant 0 : index
    %get3A_4 = arith.constant 0 : index
    %get3A_5 = vector.load %arg0[%get3A_2, %get3A_3, %get3A_4] : memref<2x640x128xf32, #tpu.memory_space<vmem>>, vector<1x640x128xf32>
    %get3A_6 = vector.shape_cast %get3A_5 : vector<1x640x128xf32> to vector<640x128xf32>
    %get3A_7 = arith.constant 1 : index
    %get3A_8 = arith.constant 0 : index
    %get3A_9 = arith.constant 0 : index
    %get3A_10 = vector.load %arg0[%get3A_7, %get3A_8, %get3A_9] : memref<2x640x128xf32, #tpu.memory_space<vmem>>, vector<1x640x128xf32>
    %get3A_11 = vector.shape_cast %get3A_10 : vector<1x640x128xf32> to vector<640x128xf32>
    %add3A = arith.addf %get3A_6, %get3A_11 : vector<640x128xf32>
    %mul3A = arith.mulf %get3A_1, %add3A : vector<640x128xf32>
    %get3A_12 = arith.constant 0 : index
    %get3A_13 = arith.constant 0 : index
    %get3A_14 = vector.load %arg2[%get3A_12, %get3A_13] : memref<1x128xf32, #tpu.memory_space<vmem>>, vector<1x128xf32>
    %add3A_15 = vector.broadcast %get3A_14 : vector<1x128xf32> to vector<640x128xf32>
    %add3A_16 = arith.addf %mul3A, %add3A_15 : vector<640x128xf32>
    %max3A = arith.constant 0.000000e+00 : f32
    %max3A_17 = vector.broadcast %max3A : f32 to vector<640x128xf32>
    %max3A_18 = arith.maximumf %add3A_16, %max3A_17 : vector<640x128xf32>
    %get3A_19 = arith.constant 0 : index
    %get3A_20 = arith.constant 0 : index
    %get3A_21 = vector.load %arg3[%get3A_19, %get3A_20] : memref<128x128xf32, #tpu.memory_space<vmem>>, vector<128x128xf32>
    %dot_general3A = arith.constant dense<0.000000e+00> : vector<640x128xf32>
    %dot_general3A_22 = tpu.matmul %max3A_18, %get3A_21, %dot_general3A {dimension_numbers = #tpu.dot_dimension_numbers<[1], [0], [0], [1], [0, 0, 1, 1], [], []>, precision = #tpu.contract_precision<fp32>, transpose_lhs_hint = false} : vector<640x128xf32>, vector<128x128xf32>, vector<640x128xf32> -> vector<640x128xf32>
    %get3A_23 = arith.constant 0 : index
    %get3A_24 = arith.constant 0 : index
    %get3A_25 = vector.load %arg1[%get3A_23, %get3A_24] : memref<640x128xf32, #tpu.memory_space<vmem>>, vector<640x128xf32>
    %mul3A_26 = arith.mulf %dot_general3A_22, %get3A_25 : vector<640x128xf32>
    %swap3A = arith.constant 0 : index
    %swap3A_27 = arith.constant 0 : index
    %swap3A_28 = vector.load %arg4[%swap3A, %swap3A_27] : memref<640x128xf32, #tpu.memory_space<vmem>>, vector<640x128xf32>
    tpu.vector_store %arg4[%swap3A, %swap3A_27], %mul3A_26 {strides = array<i32>} : memref<640x128xf32, #tpu.memory_space<vmem>>, vector<640x128xf32>,
    return
  }
}

module attributes {stable_mosaic.version = 14 : i64} {
  func.func @_tc3_body(%arg0: memref<2x640x128xf32, #tpu.memory_space<vmem>>, %arg1: memref<640x128xf32, #tpu.memory_space<vmem>>, %arg2: memref<1x128xf32, #tpu.memory_space<vmem>>, %arg3: memref<128x128xf32, #tpu.memory_space<vmem>>, %arg4: memref<128x48xf32, #tpu.memory_space<vmem>>, %arg5: memref<640x48xf32, #tpu.memory_space<vmem>>) attributes {dimension_semantics = [], scalar_prefetch = 0 : i64, scratch_operands = 0 : i64, tpu.core_type = #tpu.core_type<tc>} {
    %get3A = arith.constant 0 : index
    %get3A_0 = arith.constant 0 : index
    %get3A_1 = vector.load %arg1[%get3A, %get3A_0] : memref<640x128xf32, #tpu.memory_space<vmem>>, vector<640x128xf32>
    %get3A_2 = arith.constant 0 : index
    %get3A_3 = arith.constant 0 : index
    %get3A_4 = arith.constant 0 : index
    %get3A_5 = vector.load %arg0[%get3A_2, %get3A_3, %get3A_4] : memref<2x640x128xf32, #tpu.memory_space<vmem>>, vector<1x640x128xf32>
    %get3A_6 = vector.shape_cast %get3A_5 : vector<1x640x128xf32> to vector<640x128xf32>
    %get3A_7 = arith.constant 1 : index
    %get3A_8 = arith.constant 0 : index
    %get3A_9 = arith.constant 0 : index
    %get3A_10 = vector.load %arg0[%get3A_7, %get3A_8, %get3A_9] : memref<2x640x128xf32, #tpu.memory_space<vmem>>, vector<1x640x128xf32>
    %get3A_11 = vector.shape_cast %get3A_10 : vector<1x640x128xf32> to vector<640x128xf32>
    %add3A = arith.addf %get3A_6, %get3A_11 : vector<640x128xf32>
    %mul3A = arith.mulf %get3A_1, %add3A : vector<640x128xf32>
    %get3A_12 = arith.constant 0 : index
    %get3A_13 = arith.constant 0 : index
    %get3A_14 = vector.load %arg2[%get3A_12, %get3A_13] : memref<1x128xf32, #tpu.memory_space<vmem>>, vector<1x128xf32>
    %add3A_15 = vector.broadcast %get3A_14 : vector<1x128xf32> to vector<640x128xf32>
    %add3A_16 = arith.addf %mul3A, %add3A_15 : vector<640x128xf32>
    %iota3A = tpu.iota {dimensions = array<i32: 1>} : vector<640x128xi32>
    %jit3A = arith.constant 8 : i32
    %eq3A = arith.constant 0 : i32
    %eq3A_17 = arith.cmpi eq, %jit3A, %eq3A : i32
    %jit3A_18 = arith.constant 1 : i32
    %select_n3A = arith.select %eq3A_17, %jit3A_18, %jit3A : i32
    %rem3A = vector.broadcast %select_n3A : i32 to vector<640x128xi32>
    %rem3A_19 = arith.remsi %iota3A, %rem3A : vector<640x128xi32>
    %ne3A = arith.constant 0 : i32
    %ne3A_20 = vector.broadcast %ne3A : i32 to vector<640x128xi32>
    %ne3A_21 = arith.cmpi ne, %rem3A_19, %ne3A_20 : vector<640x128xi32>
    %lt3A = arith.constant 0 : i32
    %lt3A_22 = vector.broadcast %lt3A : i32 to vector<640x128xi32>
    %lt3A_23 = arith.cmpi slt, %rem3A_19, %lt3A_22 : vector<640x128xi32>
    %lt3A_24 = arith.constant 0 : i32
    %lt3A_25 = arith.cmpi slt, %select_n3A, %lt3A_24 : i32
    %ne3A_26 = vector.broadcast %lt3A_25 : i1 to vector<640x128xi1>
    %ne3A_27 = vector.broadcast %ne3A_26 : vector<640x128xi1> to vector<640x128xi1>
    %ne3A_28 = arith.xori %lt3A_23, %ne3A_27 : vector<640x128xi1>
    %and3A = arith.andi %ne3A_28, %ne3A_21 : vector<640x128xi1>
    %add3A_29 = vector.broadcast %select_n3A : i32 to vector<640x128xi32>
    %add3A_30 = arith.addi %rem3A_19, %add3A_29 : vector<640x128xi32>
    %select_n3A_31 = arith.select %and3A, %add3A_30, %rem3A_19 : vector<640x128xi1>, vector<640x128xi32>
    %lt3A_32 = arith.constant 3 : i32
    %lt3A_33 = vector.broadcast %lt3A_32 : i32 to vector<640x128xi32>
    %lt3A_34 = arith.cmpi slt, %select_n3A_31, %lt3A_33 : vector<640x128xi32>
    %jit3A_35 = arith.constant 0xFF800000 : f32
    %broadcast_in_dim3A = vector.broadcast %jit3A_35 : f32 to vector<640x128xf32>
    %select_n3A_36 = arith.select %lt3A_34, %add3A_16, %broadcast_in_dim3A : vector<640x128xi1>, vector<640x128xf32>
    %reduce_max3A = arith.constant dense<0xFF800000> : vector<640xf32>
    %reduce_max3A_37 = vector.multi_reduction <maximumf>, %select_n3A_36, %reduce_max3A [1] : vector<640x128xf32> to vector<640xf32>
    %broadcast_in_dim3A_38 = vector.shape_cast %reduce_max3A_37 : vector<640xf32> to vector<640x1xf32>
    %sub3A = vector.broadcast %broadcast_in_dim3A_38 : vector<640x1xf32> to vector<640x128xf32>
    %sub3A_39 = arith.subf %add3A_16, %sub3A : vector<640x128xf32>
    %exp3A = math.exp %sub3A_39 : vector<640x128xf32>
    %jit3A_40 = arith.constant 0.000000e+00 : f32
    %broadcast_in_dim3A_41 = vector.broadcast %jit3A_40 : f32 to vector<640x128xf32>
    %select_n3A_42 = arith.select %lt3A_34, %exp3A, %broadcast_in_dim3A_41 : vector<640x128xi1>, vector<640x128xf32>
    %get3A_43 = arith.constant 0 : index
    %get3A_44 = arith.constant 0 : index
    %get3A_45 = vector.load %arg3[%get3A_43, %get3A_44] : memref<128x128xf32, #tpu.memory_space<vmem>>, vector<128x128xf32>
    %dot_general3A = arith.constant dense<0.000000e+00> : vector<640x128xf32>
    %dot_general3A_46 = tpu.matmul %select_n3A_42, %get3A_45, %dot_general3A {dimension_numbers = #tpu.dot_dimension_numbers<[1], [0], [0], [1], [0, 0, 1, 1], [], []>, precision = #tpu.contract_precision<fp32>, transpose_lhs_hint = false} : vector<640x128xf32>, vector<128x128xf32>, vector<640x128xf32> -> vector<640x128xf32>
    %sub3A_47 = vector.broadcast %broadcast_in_dim3A_38 : vector<640x1xf32> to vector<640x128xf32>
    %sub3A_48 = arith.subf %add3A_16, %sub3A_47 : vector<640x128xf32>
    %log3A = math.log %dot_general3A_46 : vector<640x128xf32>
    %sub3A_49 = arith.subf %sub3A_48, %log3A : vector<640x128xf32>
    %get3A_50 = arith.constant 0 : index
    %get3A_51 = arith.constant 0 : index
    %get3A_52 = vector.load %arg4[%get3A_50, %get3A_51] : memref<128x48xf32, #tpu.memory_space<vmem>>, vector<128x48xf32>
    %dot_general3A_53 = arith.constant dense<0.000000e+00> : vector<640x48xf32>
    %dot_general3A_54 = tpu.matmul %sub3A_49, %get3A_52, %dot_general3A_53 {dimension_numbers = #tpu.dot_dimension_numbers<[1], [0], [0], [1], [0, 0, 1, 1], [], []>, precision = #tpu.contract_precision<fp32>, transpose_lhs_hint = false} : vector<640x128xf32>, vector<128x48xf32>, vector<640x48xf32> -> vector<640x48xf32>
    %swap3A = arith.constant 0 : index
    %swap3A_55 = arith.constant 0 : index
    %swap3A_56 = vector.load %arg5[%swap3A, %swap3A_55] : memref<640x48xf32, #tpu.memory_space<vmem>>, vector<640x48xf32>
    tpu.vector_store %arg5[%swap3A, %swap3A_55], %dot_general3A_54 {strides = array<i32>} : memref<640x48xf32, #tpu.memory_space<vmem>>, vector<640x48xf32>,
    return
  }
}

</mosaic_0001>

<sc_bundles>
// kernel: kernel.12.cloned.1.call-start
scs
__scs_entry_jumppad:
0x0: {  	(pc) =	sbr.rel $0x88, $3  }
0x1: {  	(tag) =	ssettag $0x0;
	lr =	simm.s32 $0x1  }
0x2: {  	[smem:$0x3F9B] =	sst lr;
	_ =	strace $0xD0000000  }
0x3: {  	_ = 	snop  }
0x4: {  	_ = 	snop  }
0x5: {  	_ = 	snop  }
0x6: {  	_ = 	snop  }
0x7: {  	_ = 	snop  }
__scs_overlays_trampoline_lowered:
0x8: {  	[smem:$0x3FAA] =	sst s0  }
0x9: {  	[smem:$0x3FAB] =	sst s1  }
0xa: {  	[smem:$0x3FAC] =	sst s2  }
0xb: {  	[smem:$0x3FAD] =	sst s3  }
0xc: {  	[smem:$0x3FAE] =	sst s4  }
0xd: {  	[smem:$0x3FAF] =	sst s5  }
0xe: {  	[smem:$0x3FB0] =	sst s6  }
0xf: {  	[smem:$0x3FB1] =	sst s7  }
0x10: {  	[smem:$0x3FB2] =	sst s8  }
0x11: {  	[smem:$0x3FB3] =	sst s9;
	s0 =	simm.s32 @!p0 $0x0  }
0x12: {  	s1 =	sld [smem:$0x3F99];
	s0 =	simm.s32 @p0 $0x1  }
0x13: {  	[smem:$0x3FB4] =	sst s0;
	s0 =	simm.s32 @!p1 $0x0  }
0x14: {  	s2 =	sld [smem:$0x3F98];
	s0 =	simm.s32 @p1 $0x1  }
0x15: {  	[smem:$0x3FB5] =	sst s0;
	s0 =	simm.s32 @!p2 $0x0  }
0x16: {  	s3 =	sld [smem:$0x3FDB];
	s0 =	simm.s32 @p2 $0x1  }
0x17: {  	s4 =	simm.s32 $0x1BF5;
	[smem:$0x3FB7] =	sst s0  }
0x18: {  	s0 =	sld [smem:$0x3F9A];
	_ =	swait.ge [sflag:s4], $0x0  }
0x19: {  	s7 =	sld [smem:$0x3F9B]  }
0x1a: {  	s8 =	sadd.s32 $0xFFFFE003, lr  }
0x1b: {  	s9 =	sadd.s32 $0xFFFFFEF7, lr;
	s5 =	simm.s32 $0xFFFFFFFF;
	p2 =	slt.u32 s8, $0xFFFFF086  }
0x1c: {  	p1 =	slt.u32 s9, $0xF7A;
	s5 =	simm.s32 @!p2 $0x0  }
0x1d: {  	s5 =	simm.s32 @p1 $0x1;
	p0 =	seq.s32 s7, s2  }
0x1e: {  	s7 =	smul.u32 @!p0 $0xF7A, s2;
	p2 =	seq.s32 @!p0 s5, $0x0  }
0x1f: {  	s9 =	smul.u32 $0xF7A, s1;
	s8 =	simm.s32 @!p0 $0x1BF5;
	p2 =	por !p2, p0  }
0x20: {  	[sflag:s8] =	ssyncset.s32 @!p0 $0xFFFFF086;
	s6 =	sadd.s32 @!p0 s3, s7;
	s7 =	simm.s32 @!p0 $0x108  }
0x21: {  	s3 =	sadd.s32 s3, s9;
	s6 =	sadd.s32 @!p0 $0x88, s6;
	s7 =	simm.s32 @p2 $0x1082  }
0x22: {  	[simem:s7], [sflag:s8] =	dma.local @!p0 [hbm:s6], $0xF7A  }
0x23: {  	s9 =	sor.u32 $0xD0000000, s2;
	s6 =	simm.s32 $0x108;
	_ =	swait.ge @!p0 [sflag:s8], $0x0  }
0x24: {  	s3 =	sadd.s32 $0x88, s3;
	s6 =	simm.s32 @!p1 $0x1082;
	[sflag:s4] =	ssyncset.s32 $0xFFFFF086  }
0x25: {  	[simem:s6], [sflag:s4] =	dma.local [hbm:s3], $0xF7A  }
0x26: {  	[smem:$0x3F9B] =	sst s1;
	(tag) =	ssettag s2;
	_ =	strace s9  }
0x27: {  	s1 =	sld [smem:$0x3FAB]  }
0x28: {  	s2 =	sld [smem:$0x3FAC]  }
0x29: {  	s4 =	sld [smem:$0x3FAE]  }
0x2a: {  	p0 =	seq.s32 s5, $0x0;
	s5 =	sld [smem:$0x3FAF]  }
0x2b: {  	s6 =	sld [smem:$0x3FB0]  }
0x2c: {  	s7 =	sld [smem:$0x3FB1]  }
0x2d: {  	s3 =	simm.s32 $0x108;
	s8 =	sld [smem:$0x3FB2]  }
0x2e: {  	s3 =	simm.s32 @!p0 $0x1082;
	s9 =	sld [smem:$0x3FB3]  }
0x2f: {  	lr =	sadd.s32 s0, s3;
	s0 =	sld [smem:$0x3FAA]  }
0x30: {  	s3 =	sld [smem:$0x3FAD]  }
0x31: {  	[smem:$0x3FB6] =	sst s10  }
0x32: {  	s10 =	sld [smem:$0x3FB4];
	_ =	sdelay $0x3  }
0x33: {  	p0 =	seq.s32 s10, $0x1;
	s10 =	sld [smem:$0x3FB6];
	_ =	sdelay $0x3  }
0x34: {  	[smem:$0x3FB6] =	sst s10  }
0x35: {  	s10 =	sld [smem:$0x3FB5];
	_ =	sdelay $0x3  }
0x36: {  	p1 =	seq.s32 s10, $0x1;
	s10 =	sld [smem:$0x3FB6];
	_ =	sdelay $0x3  }
0x37: {  	[smem:$0x3FB6] =	sst s10  }
0x38: {  	s10 =	sld [smem:$0x3FB7]  }
0x39: {  	_ = 	snop;
	(pc) =	sbr.ind lr, $3  }
0x3a: {  	_ = 	snop  }
0x3b: {  	_ = 	snop  }
0x3c: {  	p2 =	seq.s32 s10, $0x1;
	s10 =	sld [smem:$0x3FB6]  }
0x3d: {  	_ =	shalt  }
0x3e: {  	_ =	shalt  }
0x3f: {  	_ =	shalt  }
0x40: {  	_ =	shalt  }
0x41: {  	_ =	shalt  }
0x42: {  	_ =	shalt  }
0x43: {  	_ =	shalt  }
0x44: {  	_ =	shalt  }
0x45: {  	_ =	shalt  }
0x46: {  	_ =	shalt  }
0x47: {  	_ =	shalt  }
0x48: {  	_ =	shalt  }
0x49: {  	_ =	shalt  }
0x4a: {  	_ =	shalt  }
0x4b: {  	_ =	shalt  }
0x4c: {  	_ =	shalt  }
0x4d: {  	_ =	shalt  }
0x4e: {  	_ =	shalt  }
0x4f: {  	_ =	shalt  }
0x50: {  	_ =	shalt  }
0x51: {  	_ =	shalt  }
0x52: {  	_ =	shalt  }
0x53: {  	_ =	shalt  }
0x54: {  	_ =	shalt  }
0x55: {  	_ =	shalt  }
0x56: {  	_ =	shalt  }
0x57: {  	_ =	shalt  }
0x58: {  	_ =	shalt  }
0x59: {  	_ =	shalt  }
0x5a: {  	_ =	shalt  }
0x5b: {  	_ =	shalt  }
0x5c: {  	_ =	shalt  }
0x5d: {  	_ =	shalt  }
0x5e: {  	_ =	shalt  }
0x5f: {  	_ =	shalt  }
0x60: {  	_ =	shalt  }
0x61: {  	_ =	shalt  }
0x62: {  	_ =	shalt  }
0x63: {  	_ =	shalt  }
0x64: {  	_ =	shalt  }
0x65: {  	_ =	shalt  }
0x66: {  	_ =	shalt  }
0x67: {  	_ =	shalt  }
0x68: {  	_ =	shalt  }
0x69: {  	_ =	shalt  }
0x6a: {  	_ =	shalt  }
0x6b: {  	_ =	shalt  }
0x6c: {  	_ =	shalt  }
0x6d: {  	_ =	shalt  }
0x6e: {  	_ =	shalt  }
0x6f: {  	_ =	shalt  }
0x70: {  	_ =	shalt  }
0x71: {  	_ =	shalt  }
0x72: {  	_ =	shalt  }
0x73: {  	_ =	shalt  }
0x74: {  	_ =	shalt  }
0x75: {  	_ =	shalt  }
0x76: {  	_ =	shalt  }
0x77: {  	_ =	shalt  }
0x78: {  	_ =	shalt  }
0x79: {  	_ =	shalt  }
0x7a: {  	_ =	shalt  }
0x7b: {  	_ =	shalt  }
0x7c: {  	_ =	shalt  }
0x7d: {  	_ =	shalt  }
0x7e: {  	_ =	shalt  }
0x7f: {  	_ =	shalt  }
0x80: {  	_ =	shalt  }
0x81: {  	_ =	shalt  }
0x82: {  	_ =	shalt  }
0x83: {  	_ =	shalt  }
0x84: {  	_ =	shalt  }
0x85: {  	_ =	shalt  }
0x86: {  	_ =	shalt  }
0x87: {  	_ =	shalt  }
.Lfunc_end0:
.L_simem_size_0:
called_computation.1_lowered:
.L_overlay_start_0:
0x88: {  	s2 =	sld [smem:$0x3FD9]  }
0x89: {  	s3 =	sld [smem:$0x3FFE];
	_ =	sdelay $0x1  }
0x8a: {  	s1 =	srdreg.scid  }
0x8b: {  	s0 =	sand.u32 $0x1, s1  }
0x8c: {  	s16 =	sshll.u32 s0, $0xA;
	s2 =	sadd.s32 s3, s2  }
0x8d: {  	s2 =	sadd.s32 s2, s16  }
0x8e: {  	[smem:$0x3FC2] =	sst s2  }
0x8f: {  	_ = 	snop  }
0x90: {  	(tm) =	ssettm $0x1  }
0x91: {  	s17 =	sld [smem:$0x3FFB];
	_ =	sdelay $0x3  }
0x92: {  	_ =	strace s17  }
0x93: {  	s2 =	sld [smem:$0x3FFC];
	_ =	sdelay $0x3  }
0x94: {  	_ =	strace s2  }
0x95: {  	s2 =	sld [smem:$0x3FFD];
	_ =	sdelay $0x3  }
0x96: {  	_ =	strace s2  }
0x97: {  	_ =	strace $0x8FFFFFFF  }
0x98: {  	s18 =	sld [smem:$0x3FDB];
	_ =	sdelay $0x1  }
0x99: {  	s19 =	simm.s32 $_scs_section_size  }
0x9a: {  	s4 =	simm.s32 $_size__tile_overlayer_lowered;
	s5 =	simm.s32 $_tile_overlayer_lowered  }
0x9b: {  	s22 =	simm.s32 $0x1BFF;
	s21 =	sshll.u32 s5, $0x1;
	s2 =	sadd.s32 s19, s18  }
0x9c: {  	s6 =	simm.s32 $0x0;
	s20 =	sshll.u32 s4, $0x1;
	s4 =	sadd.s32 s21, s2  }
0x9d: {  	[timem:s6], [sflag:s22] =	dma.local [hbm:s4], s20  }
0x9e: {  	_ =	swait.ge [sflag:s22], s20  }
0x9f: {  	s3 =	ssub.s32 $0x0, s20;
	[sflag:s22] =	ssyncset.done $0x0  }
0xa0: {  	[sflag:s22] =	ssyncadd.s32 s3;
	_ =	sdelay $0x1  }
0xa1: {  	s23 =	simm.s32 $0x1B8B  }
0xa2: {  	_ =	swait.ge [sflag:s23], $0x1  }
0xa3: {  	[sflag:s23] =	ssyncset.done $0x0  }
0xa4: {  	s25 =	simm.s32 $0x1B8E;
	s24 =	sld [smem:$0x3FFE];
	[sflag:s23] =	ssyncadd.s32 $0xFFFFFFFF  }
0xa5: {  	s26 =	simm.s32 $execute0_lowered;
	[smem:$0x3FD2] =	sst s25  }
0xa6: {  	s4 =	sshll.u32 s26, $0x1;
	_ =	strace $0x80000049;
	[dreg:$0x1] =	wrdreg $0xFFFFFFFF  }
0xa7: {  	s28 =	simm.s32 $_size_execute0_lowered;
	s2 =	sadd.s32 s2, s4;
	[dreg:$0x0] =	wrdreg $0x0  }
0xa8: {  	s4 =	sshll.u32 s28, $0x1;
	[dreg:$0x2] =	wrdreg s2  }
0xa9: {  	[dreg:$0x3] =	wrdreg s4  }
0xaa: {  	[dreg:$0x4] =	wrdreg $0xC0  }
0xab: {  	_ =	task [dreg:s6], $0x5FFFF  }
0xac: {  	[dreg:$0x1] =	wrdreg $0xFFFFFFFF  }
0xad: {  	[dreg:$0x0] =	wrdreg $0x60  }
0xae: {  	[dreg:$0x2] =	wrdreg s24  }
0xaf: {  	[dreg:$0x3] =	wrdreg $0x191E00  }
0xb0: {  	[dreg:$0x4] =	wrdreg $0x1A5E00  }
0xb1: {  	[dreg:$0x5] =	wrdreg $0x9  }
0xb2: {  	_ =	task.clear_ibuf [dreg:s6], $0x6FFFF;
	_ =	strace $0x90000049  }
0xb3: {  	s29 =	simm.s32 $0x9;
	_ =	strace $0x8000004B  }
0xb4: {  	_ =	swait.ge [sflag:s29], $0x1  }
0xb5: {  	[sflag:s29] =	ssyncadd.s32 $0xFFFFFFFF  }
0xb6: {  	_ =	strace $0x9000004B  }
0xb7: {  	_ =	sfence  }
0xb8: {  	s30 =	sld [smem:$0x0];
	_ =	sdelay $0x2  }
0xb9: {  	s31 =	sshll.u32 s1, $0xD;
	s1 =	sshrl.u32 s1, $0x2  }
0xba: {  	s3 =	sand.u32 $0x4000, s31;
	s1 =	sadd.s32 s1, s30  }
0xbb: {  	s0 =	sor.u32 s3, s0;
	s1 =	sshll.u32 s1, $0x11  }
0xbc: {  	s0 =	sor.u32 s1, s0  }
0xbd: {  	s0 =	sadd.s32 $0x8F2B, s0  }
0xbe: {  	[sflag:s0] =	ssyncadd.remote.s32 $0x1  }
0xbf: {  	_ =	sfence.sel $0xFFFF  }
0xc0: {  	[dreg:$0x0] =	wrdreg $0xFFFFFFFF;
	(pc) =	sbr.abs _section_cstart, $3  }
0xc1: {  	[dreg:$0x1] =	wrdreg $0xFFFFFFFF  }
0xc2: {  	_ =	task.clear_ibuf [dreg:s6], $0x2FFFF;
	_ =	strace $0x9FFFFFFF  }
0xc3: {  	(tm) =	ssettm $0x7FFFFFFF  }
tec
execute0_lowered:
.L_overlay_start_1:
0x0: {  	(tag) =	ssettag $0x1  }
0x1: {  	s6 =	rddreg [dreg:$0x0]  }
0x2: {  	s0 =	srdreg.scid;
	s1 =	rddreg [dreg:$0x1]  }
0x3: {  	s2 =	rddreg [dreg:$0x2];
	s25 =	stileid.u32;
	s3 =	simm.s32 $0x0  }
0x4: {  	s7 =	sand.u32 $0x1, s0;
	[smem:$0x7FF] =	sst s3;
	p0 =	seq.s32 s25, $0x1  }
0x5: {  	p1 =	sne.s32 s25, $0x0;
	s4 =	sshll.u32 s7, $0x4;
	_ =	strace $0x8000004A  }
0x6: {  	s9 =	smul.u32 $0x2800, s7;
	s7 =	ssub.s32 $0x2, s7;
	s8 =	sor.u32 s25, s4  }
0x7: {  	s4 =	sadd.s32 $0x15C00, s6;
	s31 =	sshrl.u32 s7, $0x1;
	s5 =	smul.u32 $0x2710, s8  }
0x8: {  	s25 =	simm.s32 $0x2;
	s9 =	sadd.s32 s9, s6;
	s11 =	smul.u32 $0x140, s8  }
0x9: {  	s12 =	ssub.s32 s7, s31;
	s8 =	smul.u32 $0x2800, s8;
	s9 =	sadd.s32 $0x1AC00, s9  }
0xa: {  	s5 =	sshrl.u32 s5, $0x3;
	s13 =	sor.u32 $0x20, s11;
	s14 =	sor.u32 $0x30, s11  }
0xb: {  	s15 =	sadd.s32 $0x40, s11;
	s16 =	sadd.s32 $0x50, s11;
	s17 =	sadd.s32 $0x60, s11  }
0xc: {  	s18 =	sadd.s32 $0x70, s11;
	s19 =	sadd.s32 $0x80, s11;
	s20 =	sadd.s32 $0x90, s11  }
0xd: {  	s21 =	sadd.s32 $0xA0, s11;
	s22 =	sadd.s32 $0xB0, s11;
	s23 =	sadd.s32 $0xC0, s11  }
0xe: {  	s24 =	sadd.s32 $0xD0, s11;
	s8 =	sshrl.u32 s8, $0x2;
	s26 =	sadd.s32 $0xE0, s11  }
0xf: {  	s28 =	sadd.s32 $0xF0, s11;
	s29 =	sadd.s32 $0x100, s11;
	s30 =	sadd.s32 $0x110, s11  }
0x10: {  	v19 =	vlaneseq.u32;
	s31 =	sadd.s32 $0x120, s11;
	s0 =	sadd.s32 $0x130, s11;
	s10 =	sadd.s32 s5, s6  }
0x11: {  	v0 =	vor.u32 s11, v19;
	s5 =	sadd.s32 $0x18400, s6;
	s8 =	sadd.s32 s8, s2;
	v2 =	vor.u32 s13, v19;
	s13 =	simm.s32 $0x3  }
0x12: {  	v3 =	vor.u32 s14, v19;
	v4 =	vor.u32 s15, v19;
	v5 =	vor.u32 s16, v19;
	s14 =	simm.s32 $0x2710;
	s15 =	simm.s32 $0x50;
	s16 =	simm.s32 $0x187E0  }
0x13: {  	v6 =	vor.u32 s17, v19;
	v7 =	vor.u32 s18, v19;
	v8 =	vor.u32 s19, v19;
	s17 =	simm.s32 $0x186A0;
	s18 =	simm.s32 $0x186F0;
	s19 =	simm.s32 $0x18A60  }
0x14: {  	v9 =	vor.u32 s20, v19;
	v10 =	vor.u32 s21, v19;
	v11 =	vor.u32 s22, v19;
	s20 =	simm.s32 $0x18740;
	s21 =	simm.s32 $0x18CE0;
	s22 =	simm.s32 $0x18790  }
0x15: {  	v12 =	vor.u32 s23, v19;
	v13 =	vor.u32 s24, v19;
	v14 =	vor.u32 s26, v19;
	s23 =	simm.s32 $0x18F60;
	s24 =	simm.s32 $0x1;
	s26 =	simm.s32 $0x1C03  }
0x16: {  	v15 =	vor.u32 s28, v19;
	v16 =	vor.u32 s29, v19;
	v17 =	vor.u32 s30, v19;
	s6 =	sadd.s32 $0x2200, s10;
	s7 =	sadd.s32 $0xBE40, s10;
	s10 =	sor.u32 $0x10, s11  }
0x17: {  	v18 =	vor.u32 s31, v19;
	s11 =	sshrl.u32 s2, $0x3;
	v1 =	vor.u32 s10, v19;
	s10 =	smax.u32 s12, $0x1;
	s12 =	simm.s32 $0x1C43;
	v19 =	vor.u32 s0, v19  }
.LBB2_1:
.Ltmp0:
0x18: {  	(pc) =	sbr.rel @p0 .LBB2_4-.Ltmp0, $1  }
0x19: {  	_ =	sdelay $0x3  }
.Ltmp1:
0x1a: {  	(pc) =	sbr.rel @p1 .LBB2_6-.Ltmp1, $1  }
0x1b: {  	_ =	sdelay $0x3  }
.Ltmp2:
0x1c: {  	(pc) =	sbr.rel .LBB2_5-.Ltmp2, $3  }
0x1d: {  	_ =	sdelay $0x1  }
0x1e: {  	s0 =	sshrl.u32 s1, $0x3  }
0x1f: {  	[spmem:s0], [sflag:s26] =	dma.local [hbm:s5], $0x2800  }
.LBB2_4:
0x20: {  	[spmem:s11], [sflag:s12] =	dma.local [hbm:s4], $0x2800  }
.LBB2_5:
0x21: {  	_ =	swait.ge [sflag:s13], $0x2800  }
0x22: {  	[sflag:s13] =	ssyncset.done $0x0  }
0x23: {  	[sflag:s13] =	ssyncadd.s32 $0xFFFFD800  }
.LBB2_6:
0x24: {  	s0 =	simm.s32 $0x0  }
0x25: {  	[tilespmem:s0], [sflag:$0x3] =	stream.linear.gather [hbm4b:s6+s0], $0x2710, $0x38;
	[tilespmem:$0x1B9E0] =	vst v63  }
0x26: {  	_ =	swait.ge [sflag:s13], $0x2710  }
0x27: {  	[sflag:s13] =	ssyncset.done $0x0  }
0x28: {  	[sflag:s13] =	ssyncadd.s32 $0xFFFFD8F0  }
0x29: {  	[tilespmem:s14], [sflag:$0x3] =	stream.linear.gather [hbm4b:s7+s0], $0x2710, $0x38;
	[tilespmem:$0x1B9E0] =	vst v63  }
0x2a: {  	_ =	swait.ge [sflag:s13], $0x2710  }
0x2b: {  	[sflag:s13] =	ssyncset.done $0x0  }
0x2c: {  	[sflag:s13] =	ssyncadd.s32 $0xFFFFD8F0  }
0x2d: {  	[tilespmem:$0x186A0] =	vst v0  }
0x2e: {  	[tilespmem:$0x186B0] =	vst v1  }
0x2f: {  	[tilespmem:$0x186C0] =	vst v2  }
0x30: {  	[tilespmem:$0x186D0] =	vst v3  }
0x31: {  	[tilespmem:$0x186E0] =	vst v4  }
0x32: {  	[tilespmem:$0x186F0] =	vst v5  }
0x33: {  	[tilespmem:$0x18700] =	vst v6  }
0x34: {  	[tilespmem:$0x18710] =	vst v7  }
0x35: {  	[tilespmem:$0x18720] =	vst v8  }
0x36: {  	[tilespmem:$0x18730] =	vst v9  }
0x37: {  	[tilespmem:$0x18740] =	vst v10  }
0x38: {  	[tilespmem:$0x18750] =	vst v11  }
0x39: {  	[tilespmem:$0x18760] =	vst v12  }
0x3a: {  	[tilespmem:$0x18770] =	vst v13  }
0x3b: {  	[tilespmem:$0x18780] =	vst v14  }
0x3c: {  	[tilespmem:$0x18790] =	vst v15  }
0x3d: {  	[tilespmem:$0x187A0] =	vst v16  }
0x3e: {  	[tilespmem:$0x187B0] =	vst v17  }
0x3f: {  	[tilespmem:$0x187C0] =	vst v18  }
0x40: {  	s28 =	simm.s32 $0x4E20;
	s29 =	simm.s32 $0x140;
	[tilespmem:$0x187D0] =	vst v19  }
0x41: {  	s31 =	simm.s32 $0x0;
	s30 =	simm.s32 $0x50A0;
	[bflag:$0x0] =	sbarrier.arrive $0xFFFF  }
.LBB2_7:
0x42: {  	[tilespmem:s28], [sflag:$0x1] =	stream.indirect.gather [spmem:s2], $0x8, s31, s15, $0xb8;
	[tilespmem:$0x1B9E0] =	vst v63  }
0x43: {  	s0 =	smov.u32 s29;
	s28 =	smov.u32 s30;
	p2 =	sne.s32 s29, $0x9B00  }
.Ltmp3:
0x44: {  	s29 =	sadd.s32 $0x140, s29;
	(pc) =	sbr.rel @p2 .LBB2_7-.Ltmp3, $2  }
0x45: {  	_ =	sdelay $0x2  }
0x46: {  	s30 =	sadd.s32 $0x280, s30;
	s31 =	sshra.s32 s0, $0x2  }
0x47: {  	[tilespmem:s28], [sflag:$0x1] =	stream.indirect.gather [spmem:s2], $0x8, s31, s15, $0xb8;
	[tilespmem:$0x1B9E0] =	vst v63  }
0x48: {  	_ = 	snop  }
0x49: {  	[tilespmem:s16], [sflag:$0x3] =	stream.linear.gather [spmem:s8], $0xA00, $0x38;
	[tilespmem:$0x1B9E0] =	vst v63  }
0x4a: {  	_ =	swait.ge [sflag:s13], $0xA00  }
0x4b: {  	[sflag:s13] =	ssyncset.done $0x0  }
0x4c: {  	[sflag:s13] =	ssyncadd.s32 $0xFFFFF600  }
0x4d: {  	[spmem:s1] =	stream.indirect.scatter.add.f32 [tilespmem:s16], [sflag:$0x2], $0x8, s17, s15, $0xb8;
	[tilespmem:$0x1B9E0] =	vst v63  }
0x4e: {  	_ = 	snop  }
0x4f: {  	[spmem:s1] =	stream.indirect.scatter.add.f32 [tilespmem:s19], [sflag:$0x2], $0x8, s18, s15, $0xb8;
	[tilespmem:$0x1B9E0] =	vst v63  }
0x50: {  	_ = 	snop  }
0x51: {  	[spmem:s1] =	stream.indirect.scatter.add.f32 [tilespmem:s21], [sflag:$0x2], $0x8, s20, s15, $0xb8;
	[tilespmem:$0x1B9E0] =	vst v63  }
0x52: {  	_ = 	snop  }
0x53: {  	[spmem:s1] =	stream.indirect.scatter.add.f32 [tilespmem:s23], [sflag:$0x2], $0x8, s22, s15, $0xb8;
	[tilespmem:$0x1B9E0] =	vst v63  }
0x54: {  	_ =	swait.ge [sflag:s24], $0x280  }
0x55: {  	s28 =	simm.s32 $0x4E20;
	[sflag:s24] =	ssyncset.done $0x0  }
0x56: {  	s0 =	simm.s32 $0x2710;
	s29 =	simm.s32 $0x140;
	[sflag:s24] =	ssyncadd.s32 $0xFFFFFD80  }
0x57: {  	[spmem:s1] =	stream.indirect.scatter.add.f32 [tilespmem:s28], [sflag:$0x2], $0x8, s0, s15, $0xb8;
	[tilespmem:$0x1B9E0] =	vst v63  }
.LBB2_9:
0x58: {  	_ =	swait.ge [sflag:s24], $0x280;
	p2 =	sne.s32 s29, $0x9B00  }
.Ltmp4:
0x59: {  	(pc) =	sbr.rel @p2 .LBB2_9-.Ltmp4, $4  }
0x5a: {  	s0 =	sshra.s32 s29, $0x2  }
0x5b: {  	s29 =	sadd.s32 $0x140, s29;
	[sflag:s24] =	ssyncset.done $0x0  }
0x5c: {  	s28 =	sadd.s32 $0x280, s28;
	s0 =	sadd.s32 $0x2710, s0;
	[sflag:s24] =	ssyncadd.s32 $0xFFFFFD80  }
0x5d: {  	[spmem:s1] =	stream.indirect.scatter.add.f32 [tilespmem:s28], [sflag:$0x2], $0x8, s0, s15, $0xb8;
	[tilespmem:$0x1B9E0] =	vst v63  }
0x5e: {  	_ =	swait.ge [sflag:s25], $0x280  }
0x5f: {  	s28 =	simm.s32 $0x80;
	[sflag:s25] =	ssyncset.done $0x0  }
.LBB2_11:
0x60: {  	p2 =	sne.s32 s28, $0x1;
	s28 =	sadd.s32 $0xFFFFFFFF, s28;
	[sflag:s25] =	ssyncadd.s32 $0xFFFFFD80  }
.Ltmp5:
0x61: {  	(pc) =	sbr.rel @p2 .LBB2_11-.Ltmp5, $3  }
0x62: {  	_ =	sdelay $0x1  }
0x63: {  	_ =	swait.ge [sflag:s25], $0x280  }
0x64: {  	[sflag:s25] =	ssyncset.done $0x0  }
0x65: {  	[sflag:s25] =	ssyncadd.s32 $0xFFFFFD80;
	s0 =	sshrl.u32 @!p1 s1, $0x3;
	s3 =	sadd.s32 $0x1, s3  }
0x66: {  	s28 =	simm.s32 @!p1 $0x1C03;
	[bflag:$0x0] =	sbarrier.arrive $0xFFFF;
	p2 =	sne.s32 s3, s10  }
0x67: {  	[hbm:s9], [sflag:s28] =	dma.local @!p1 [spmem:s0], $0x2800  }
.Ltmp6:
0x68: {  	_ = 	snop;
	(pc) =	sbr.rel @p2 .LBB2_1-.Ltmp6, $4  }
0x69: {  	s0 =	simm.s32 @!p1 $0x3  }
0x6a: {  	_ =	swait.ge @!p1 [sflag:s0], $0x2800  }
0x6b: {  	[sflag:s0] =	ssyncset.done @!p1 $0x0  }
0x6c: {  	[sflag:s0] =	ssyncadd.s32 @!p1 $0xFFFFD800  }
0x6d: {  	_ =	sfence.sel $0x180000  }
0x6e: {  	[bflag:$0x0] =	sbarrier.arrive $0xFFFF  }
0x6f: {  	_ =	strace $0x9000004A  }
0x70: {  	[bflag:$0x2] =	sbarrier.arrive $0xFFFF  }
0x71: {  	s0 =	rddreg [dreg:$0x3]  }
0x72: {  	s0 =	sadd.s32 @!p1 $0x100000, s0  }
0x73: {  	[sflag:s0] =	ssyncadd.tile.s32 @!p1 $0x1;
	_ =	shalt  }
.Lfunc_end2:
_tile_overlayer_lowered:
.L_overlay_start_2:
0x74: {  	(tag) =	ssettag $0x2  }
0x75: {  	s0 =	rddreg [dreg:$0x0];
	s2 =	stileid.u32  }
0x76: {  	s1 =	rddreg [dreg:$0x1];
	p0 =	sne.s32 s2, $0x0  }
0x77: {  	s3 =	rddreg [dreg:$0x2];
	[bflag:$0x3] =	sbarrier.arrive $0xFFFF;
	s2 =	simm.s32 @!p0 $0x1C03  }
0x78: {  	[timem:s3], [sflag:s2] =	dma.local @!p0 [hbm:s0], s1  }
0x79: {  	s0 =	simm.s32 @!p0 $0x3  }
0x7a: {  	_ =	swait.ge @!p0 [sflag:s0], s1  }
0x7b: {  	s1 =	ssub.s32 @!p0 $0x0, s1;
	[sflag:s0] =	ssyncset.done @!p0 $0x0  }
0x7c: {  	[sflag:s0] =	ssyncadd.s32 @!p0 s1  }
0x7d: {  	[bflag:$0x3] =	sbarrier.arrive $0xFFFF  }
0x7e: {  	_ =	shalt  }

// kernel: kernel.15.cloned.1.call-start
scs
__scs_entry_jumppad:
0x0: {  	(pc) =	sbr.rel $0x88, $3  }
0x1: {  	(tag) =	ssettag $0x0;
	lr =	simm.s32 $0x1  }
0x2: {  	[smem:$0x3F9B] =	sst lr;
	_ =	strace $0xD0000000  }
0x3: {  	_ = 	snop  }
0x4: {  	_ = 	snop  }
0x5: {  	_ = 	snop  }
0x6: {  	_ = 	snop  }
0x7: {  	_ = 	snop  }
__scs_overlays_trampoline_lowered:
0x8: {  	[smem:$0x3FAA] =	sst s0  }
0x9: {  	[smem:$0x3FAB] =	sst s1  }
0xa: {  	[smem:$0x3FAC] =	sst s2  }
0xb: {  	[smem:$0x3FAD] =	sst s3  }
0xc: {  	[smem:$0x3FAE] =	sst s4  }
0xd: {  	[smem:$0x3FAF] =	sst s5  }
0xe: {  	[smem:$0x3FB0] =	sst s6  }
0xf: {  	[smem:$0x3FB1] =	sst s7  }
0x10: {  	[smem:$0x3FB2] =	sst s8  }
0x11: {  	[smem:$0x3FB3] =	sst s9;
	s0 =	simm.s32 @!p0 $0x0  }
0x12: {  	s1 =	sld [smem:$0x3F99];
	s0 =	simm.s32 @p0 $0x1  }
0x13: {  	[smem:$0x3FB4] =	sst s0;
	s0 =	simm.s32 @!p1 $0x0  }
0x14: {  	s2 =	sld [smem:$0x3F98];
	s0 =	simm.s32 @p1 $0x1  }
0x15: {  	[smem:$0x3FB5] =	sst s0;
	s0 =	simm.s32 @!p2 $0x0  }
0x16: {  	s3 =	sld [smem:$0x3FDB];
	s0 =	simm.s32 @p2 $0x1  }
0x17: {  	s4 =	simm.s32 $0x1BF5;
	[smem:$0x3FB7] =	sst s0  }
0x18: {  	s0 =	sld [smem:$0x3F9A];
	_ =	swait.ge [sflag:s4], $0x0  }
0x19: {  	s7 =	sld [smem:$0x3F9B]  }
0x1a: {  	s8 =	sadd.s32 $0xFFFFE003, lr  }
0x1b: {  	s9 =	sadd.s32 $0xFFFFFEF7, lr;
	s5 =	simm.s32 $0xFFFFFFFF;
	p2 =	slt.u32 s8, $0xFFFFF086  }
0x1c: {  	p1 =	slt.u32 s9, $0xF7A;
	s5 =	simm.s32 @!p2 $0x0  }
0x1d: {  	s5 =	simm.s32 @p1 $0x1;
	p0 =	seq.s32 s7, s2  }
0x1e: {  	s7 =	smul.u32 @!p0 $0xF7A, s2;
	p2 =	seq.s32 @!p0 s5, $0x0  }
0x1f: {  	s9 =	smul.u32 $0xF7A, s1;
	s8 =	simm.s32 @!p0 $0x1BF5;
	p2 =	por !p2, p0  }
0x20: {  	[sflag:s8] =	ssyncset.s32 @!p0 $0xFFFFF086;
	s6 =	sadd.s32 @!p0 s3, s7;
	s7 =	simm.s32 @!p0 $0x108  }
0x21: {  	s3 =	sadd.s32 s3, s9;
	s6 =	sadd.s32 @!p0 $0x88, s6;
	s7 =	simm.s32 @p2 $0x1082  }
0x22: {  	[simem:s7], [sflag:s8] =	dma.local @!p0 [hbm:s6], $0xF7A  }
0x23: {  	s9 =	sor.u32 $0xD0000000, s2;
	s6 =	simm.s32 $0x108;
	_ =	swait.ge @!p0 [sflag:s8], $0x0  }
0x24: {  	s3 =	sadd.s32 $0x88, s3;
	s6 =	simm.s32 @!p1 $0x1082;
	[sflag:s4] =	ssyncset.s32 $0xFFFFF086  }
0x25: {  	[simem:s6], [sflag:s4] =	dma.local [hbm:s3], $0xF7A  }
0x26: {  	[smem:$0x3F9B] =	sst s1;
	(tag) =	ssettag s2;
	_ =	strace s9  }
0x27: {  	s1 =	sld [smem:$0x3FAB]  }
0x28: {  	s2 =	sld [smem:$0x3FAC]  }
0x29: {  	s4 =	sld [smem:$0x3FAE]  }
0x2a: {  	p0 =	seq.s32 s5, $0x0;
	s5 =	sld [smem:$0x3FAF]  }
0x2b: {  	s6 =	sld [smem:$0x3FB0]  }
0x2c: {  	s7 =	sld [smem:$0x3FB1]  }
0x2d: {  	s3 =	simm.s32 $0x108;
	s8 =	sld [smem:$0x3FB2]  }
0x2e: {  	s3 =	simm.s32 @!p0 $0x1082;
	s9 =	sld [smem:$0x3FB3]  }
0x2f: {  	lr =	sadd.s32 s0, s3;
	s0 =	sld [smem:$0x3FAA]  }
0x30: {  	s3 =	sld [smem:$0x3FAD]  }
0x31: {  	[smem:$0x3FB6] =	sst s10  }
0x32: {  	s10 =	sld [smem:$0x3FB4];
	_ =	sdelay $0x3  }
0x33: {  	p0 =	seq.s32 s10, $0x1;
	s10 =	sld [smem:$0x3FB6];
	_ =	sdelay $0x3  }
0x34: {  	[smem:$0x3FB6] =	sst s10  }
0x35: {  	s10 =	sld [smem:$0x3FB5];
	_ =	sdelay $0x3  }
0x36: {  	p1 =	seq.s32 s10, $0x1;
	s10 =	sld [smem:$0x3FB6];
	_ =	sdelay $0x3  }
0x37: {  	[smem:$0x3FB6] =	sst s10  }
0x38: {  	s10 =	sld [smem:$0x3FB7]  }
0x39: {  	_ = 	snop;
	(pc) =	sbr.ind lr, $3  }
0x3a: {  	_ = 	snop  }
0x3b: {  	_ = 	snop  }
0x3c: {  	p2 =	seq.s32 s10, $0x1;
	s10 =	sld [smem:$0x3FB6]  }
0x3d: {  	_ =	shalt  }
0x3e: {  	_ =	shalt  }
0x3f: {  	_ =	shalt  }
0x40: {  	_ =	shalt  }
0x41: {  	_ =	shalt  }
0x42: {  	_ =	shalt  }
0x43: {  	_ =	shalt  }
0x44: {  	_ =	shalt  }
0x45: {  	_ =	shalt  }
0x46: {  	_ =	shalt  }
0x47: {  	_ =	shalt  }
0x48: {  	_ =	shalt  }
0x49: {  	_ =	shalt  }
0x4a: {  	_ =	shalt  }
0x4b: {  	_ =	shalt  }
0x4c: {  	_ =	shalt  }
0x4d: {  	_ =	shalt  }
0x4e: {  	_ =	shalt  }
0x4f: {  	_ =	shalt  }
0x50: {  	_ =	shalt  }
0x51: {  	_ =	shalt  }
0x52: {  	_ =	shalt  }
0x53: {  	_ =	shalt  }
0x54: {  	_ =	shalt  }
0x55: {  	_ =	shalt  }
0x56: {  	_ =	shalt  }
0x57: {  	_ =	shalt  }
0x58: {  	_ =	shalt  }
0x59: {  	_ =	shalt  }
0x5a: {  	_ =	shalt  }
0x5b: {  	_ =	shalt  }
0x5c: {  	_ =	shalt  }
0x5d: {  	_ =	shalt  }
0x5e: {  	_ =	shalt  }
0x5f: {  	_ =	shalt  }
0x60: {  	_ =	shalt  }
0x61: {  	_ =	shalt  }
0x62: {  	_ =	shalt  }
0x63: {  	_ =	shalt  }
0x64: {  	_ =	shalt  }
0x65: {  	_ =	shalt  }
0x66: {  	_ =	shalt  }
0x67: {  	_ =	shalt  }
0x68: {  	_ =	shalt  }
0x69: {  	_ =	shalt  }
0x6a: {  	_ =	shalt  }
0x6b: {  	_ =	shalt  }
0x6c: {  	_ =	shalt  }
0x6d: {  	_ =	shalt  }
0x6e: {  	_ =	shalt  }
0x6f: {  	_ =	shalt  }
0x70: {  	_ =	shalt  }
0x71: {  	_ =	shalt  }
0x72: {  	_ =	shalt  }
0x73: {  	_ =	shalt  }
0x74: {  	_ =	shalt  }
0x75: {  	_ =	shalt  }
0x76: {  	_ =	shalt  }
0x77: {  	_ =	shalt  }
0x78: {  	_ =	shalt  }
0x79: {  	_ =	shalt  }
0x7a: {  	_ =	shalt  }
0x7b: {  	_ =	shalt  }
0x7c: {  	_ =	shalt  }
0x7d: {  	_ =	shalt  }
0x7e: {  	_ =	shalt  }
0x7f: {  	_ =	shalt  }
0x80: {  	_ =	shalt  }
0x81: {  	_ =	shalt  }
0x82: {  	_ =	shalt  }
0x83: {  	_ =	shalt  }
0x84: {  	_ =	shalt  }
0x85: {  	_ =	shalt  }
0x86: {  	_ =	shalt  }
0x87: {  	_ =	shalt  }
.Lfunc_end0:
.L_simem_size_0:
called_computation.2_lowered:
.L_overlay_start_0:
0x88: {  	s2 =	sld [smem:$0x3FD9]  }
0x89: {  	s3 =	sld [smem:$0x3FFE];
	_ =	sdelay $0x1  }
0x8a: {  	s1 =	srdreg.scid  }
0x8b: {  	s0 =	sand.u32 $0x1, s1  }
0x8c: {  	s16 =	sshll.u32 s0, $0xA;
	s2 =	sadd.s32 s3, s2  }
0x8d: {  	s2 =	sadd.s32 s2, s16  }
0x8e: {  	[smem:$0x3FC2] =	sst s2  }
0x8f: {  	_ = 	snop  }
0x90: {  	(tm) =	ssettm $0x1  }
0x91: {  	s17 =	sld [smem:$0x3FFB];
	_ =	sdelay $0x3  }
0x92: {  	_ =	strace s17  }
0x93: {  	s2 =	sld [smem:$0x3FFC];
	_ =	sdelay $0x3  }
0x94: {  	_ =	strace s2  }
0x95: {  	s2 =	sld [smem:$0x3FFD];
	_ =	sdelay $0x3  }
0x96: {  	_ =	strace s2  }
0x97: {  	_ =	strace $0x8FFFFFFF  }
0x98: {  	s18 =	sld [smem:$0x3FDB];
	_ =	sdelay $0x1  }
0x99: {  	s19 =	simm.s32 $_scs_section_size  }
0x9a: {  	s4 =	simm.s32 $_size__tile_overlayer_lowered;
	s5 =	simm.s32 $_tile_overlayer_lowered  }
0x9b: {  	s22 =	simm.s32 $0x1BFF;
	s21 =	sshll.u32 s5, $0x1;
	s2 =	sadd.s32 s19, s18  }
0x9c: {  	s6 =	simm.s32 $0x0;
	s20 =	sshll.u32 s4, $0x1;
	s4 =	sadd.s32 s21, s2  }
0x9d: {  	[timem:s6], [sflag:s22] =	dma.local [hbm:s4], s20  }
0x9e: {  	_ =	swait.ge [sflag:s22], s20  }
0x9f: {  	s3 =	ssub.s32 $0x0, s20;
	[sflag:s22] =	ssyncset.done $0x0  }
0xa0: {  	[sflag:s22] =	ssyncadd.s32 s3;
	_ =	sdelay $0x1  }
0xa1: {  	s23 =	simm.s32 $0x1B8B  }
0xa2: {  	_ =	swait.ge [sflag:s23], $0x1  }
0xa3: {  	[sflag:s23] =	ssyncset.done $0x0  }
0xa4: {  	s25 =	simm.s32 $0x1B8E;
	s24 =	sld [smem:$0x3FFE];
	[sflag:s23] =	ssyncadd.s32 $0xFFFFFFFF  }
0xa5: {  	s26 =	simm.s32 $execute0_lowered;
	[smem:$0x3FD2] =	sst s25  }
0xa6: {  	s4 =	sshll.u32 s26, $0x1;
	_ =	strace $0x8000004C;
	[dreg:$0x1] =	wrdreg $0xFFFFFFFF  }
0xa7: {  	s28 =	simm.s32 $_size_execute0_lowered;
	s2 =	sadd.s32 s2, s4;
	[dreg:$0x0] =	wrdreg $0x0  }
0xa8: {  	s4 =	sshll.u32 s28, $0x1;
	[dreg:$0x2] =	wrdreg s2  }
0xa9: {  	[dreg:$0x3] =	wrdreg s4  }
0xaa: {  	[dreg:$0x4] =	wrdreg $0xC0  }
0xab: {  	_ =	task [dreg:s6], $0x5FFFF  }
0xac: {  	[dreg:$0x1] =	wrdreg $0xFFFFFFFF  }
0xad: {  	[dreg:$0x0] =	wrdreg $0x60  }
0xae: {  	[dreg:$0x2] =	wrdreg s24  }
0xaf: {  	[dreg:$0x3] =	wrdreg $0x191E00  }
0xb0: {  	[dreg:$0x4] =	wrdreg $0x1A5E00  }
0xb1: {  	[dreg:$0x5] =	wrdreg $0x9  }
0xb2: {  	_ =	task.clear_ibuf [dreg:s6], $0x6FFFF;
	_ =	strace $0x9000004C  }
0xb3: {  	s29 =	simm.s32 $0x9;
	_ =	strace $0x8000004E  }
0xb4: {  	_ =	swait.ge [sflag:s29], $0x1  }
0xb5: {  	[sflag:s29] =	ssyncadd.s32 $0xFFFFFFFF  }
0xb6: {  	_ =	strace $0x9000004E  }
0xb7: {  	_ =	sfence  }
0xb8: {  	s30 =	sld [smem:$0x0];
	_ =	sdelay $0x2  }
0xb9: {  	s31 =	sshll.u32 s1, $0xD;
	s1 =	sshrl.u32 s1, $0x2  }
0xba: {  	s3 =	sand.u32 $0x4000, s31;
	s1 =	sadd.s32 s1, s30  }
0xbb: {  	s0 =	sor.u32 s3, s0;
	s1 =	sshll.u32 s1, $0x11  }
0xbc: {  	s0 =	sor.u32 s1, s0  }
0xbd: {  	s0 =	sadd.s32 $0x8F2B, s0  }
0xbe: {  	[sflag:s0] =	ssyncadd.remote.s32 $0x1  }
0xbf: {  	_ =	sfence.sel $0xFFFF  }
0xc0: {  	[dreg:$0x0] =	wrdreg $0xFFFFFFFF;
	(pc) =	sbr.abs _section_cstart, $3  }
0xc1: {  	[dreg:$0x1] =	wrdreg $0xFFFFFFFF  }
0xc2: {  	_ =	task.clear_ibuf [dreg:s6], $0x2FFFF;
	_ =	strace $0x9FFFFFFF  }
0xc3: {  	(tm) =	ssettm $0x7FFFFFFF  }
tec
execute0_lowered:
.L_overlay_start_1:
0x0: {  	(tag) =	ssettag $0x1  }
0x1: {  	s6 =	rddreg [dreg:$0x0]  }
0x2: {  	s0 =	srdreg.scid;
	s1 =	rddreg [dreg:$0x1]  }
0x3: {  	s2 =	rddreg [dreg:$0x2];
	s25 =	stileid.u32;
	s3 =	simm.s32 $0x0  }
0x4: {  	s7 =	sand.u32 $0x1, s0;
	[smem:$0x7FF] =	sst s3;
	p0 =	seq.s32 s25, $0x1  }
0x5: {  	p1 =	sne.s32 s25, $0x0;
	s4 =	sshll.u32 s7, $0x4;
	_ =	strace $0x8000004D  }
0x6: {  	s9 =	smul.u32 $0x2800, s7;
	s7 =	ssub.s32 $0x2, s7;
	s8 =	sor.u32 s25, s4  }
0x7: {  	s4 =	sadd.s32 $0x15C00, s6;
	s31 =	sshrl.u32 s7, $0x1;
	s5 =	smul.u32 $0x2710, s8  }
0x8: {  	s25 =	simm.s32 $0x2;
	s9 =	sadd.s32 s9, s6;
	s11 =	smul.u32 $0x140, s8  }
0x9: {  	s12 =	ssub.s32 s7, s31;
	s8 =	smul.u32 $0x2800, s8;
	s9 =	sadd.s32 $0x1AC00, s9  }
0xa: {  	s5 =	sshrl.u32 s5, $0x3;
	s13 =	sor.u32 $0x20, s11;
	s14 =	sor.u32 $0x30, s11  }
0xb: {  	s15 =	sadd.s32 $0x40, s11;
	s16 =	sadd.s32 $0x50, s11;
	s17 =	sadd.s32 $0x60, s11  }
0xc: {  	s18 =	sadd.s32 $0x70, s11;
	s19 =	sadd.s32 $0x80, s11;
	s20 =	sadd.s32 $0x90, s11  }
0xd: {  	s21 =	sadd.s32 $0xA0, s11;
	s22 =	sadd.s32 $0xB0, s11;
	s23 =	sadd.s32 $0xC0, s11  }
0xe: {  	s24 =	sadd.s32 $0xD0, s11;
	s8 =	sshrl.u32 s8, $0x2;
	s26 =	sadd.s32 $0xE0, s11  }
0xf: {  	s28 =	sadd.s32 $0xF0, s11;
	s29 =	sadd.s32 $0x100, s11;
	s30 =	sadd.s32 $0x110, s11  }
0x10: {  	v19 =	vlaneseq.u32;
	s31 =	sadd.s32 $0x120, s11;
	s0 =	sadd.s32 $0x130, s11;
	s10 =	sadd.s32 s5, s6  }
0x11: {  	v0 =	vor.u32 s11, v19;
	s5 =	sadd.s32 $0x18400, s6;
	s8 =	sadd.s32 s8, s2;
	v2 =	vor.u32 s13, v19;
	s13 =	simm.s32 $0x3  }
0x12: {  	v3 =	vor.u32 s14, v19;
	v4 =	vor.u32 s15, v19;
	v5 =	vor.u32 s16, v19;
	s14 =	simm.s32 $0x2710;
	s15 =	simm.s32 $0x50;
	s16 =	simm.s32 $0x187E0  }
0x13: {  	v6 =	vor.u32 s17, v19;
	v7 =	vor.u32 s18, v19;
	v8 =	vor.u32 s19, v19;
	s17 =	simm.s32 $0x186A0;
	s18 =	simm.s32 $0x186F0;
	s19 =	simm.s32 $0x18A60  }
0x14: {  	v9 =	vor.u32 s20, v19;
	v10 =	vor.u32 s21, v19;
	v11 =	vor.u32 s22, v19;
	s20 =	simm.s32 $0x18740;
	s21 =	simm.s32 $0x18CE0;
	s22 =	simm.s32 $0x18790  }
0x15: {  	v12 =	vor.u32 s23, v19;
	v13 =	vor.u32 s24, v19;
	v14 =	vor.u32 s26, v19;
	s23 =	simm.s32 $0x18F60;
	s24 =	simm.s32 $0x1;
	s26 =	simm.s32 $0x1C03  }
0x16: {  	v15 =	vor.u32 s28, v19;
	v16 =	vor.u32 s29, v19;
	v17 =	vor.u32 s30, v19;
	s6 =	sadd.s32 $0x2200, s10;
	s7 =	sadd.s32 $0xBE40, s10;
	s10 =	sor.u32 $0x10, s11  }
0x17: {  	v18 =	vor.u32 s31, v19;
	s11 =	sshrl.u32 s2, $0x3;
	v1 =	vor.u32 s10, v19;
	s10 =	smax.u32 s12, $0x1;
	s12 =	simm.s32 $0x1C43;
	v19 =	vor.u32 s0, v19  }
.LBB2_1:
.Ltmp0:
0x18: {  	(pc) =	sbr.rel @p0 .LBB2_4-.Ltmp0, $1  }
0x19: {  	_ =	sdelay $0x3  }
.Ltmp1:
0x1a: {  	(pc) =	sbr.rel @p1 .LBB2_6-.Ltmp1, $1  }
0x1b: {  	_ =	sdelay $0x3  }
.Ltmp2:
0x1c: {  	(pc) =	sbr.rel .LBB2_5-.Ltmp2, $3  }
0x1d: {  	_ =	sdelay $0x1  }
0x1e: {  	s0 =	sshrl.u32 s1, $0x3  }
0x1f: {  	[spmem:s0], [sflag:s26] =	dma.local [hbm:s5], $0x2800  }
.LBB2_4:
0x20: {  	[spmem:s11], [sflag:s12] =	dma.local [hbm:s4], $0x2800  }
.LBB2_5:
0x21: {  	_ =	swait.ge [sflag:s13], $0x2800  }
0x22: {  	[sflag:s13] =	ssyncset.done $0x0  }
0x23: {  	[sflag:s13] =	ssyncadd.s32 $0xFFFFD800  }
.LBB2_6:
0x24: {  	s0 =	simm.s32 $0x0  }
0x25: {  	[tilespmem:s0], [sflag:$0x3] =	stream.linear.gather [hbm4b:s6+s0], $0x2710, $0x38;
	[tilespmem:$0x1B9E0] =	vst v63  }
0x26: {  	_ =	swait.ge [sflag:s13], $0x2710  }
0x27: {  	[sflag:s13] =	ssyncset.done $0x0  }
0x28: {  	[sflag:s13] =	ssyncadd.s32 $0xFFFFD8F0  }
0x29: {  	[tilespmem:s14], [sflag:$0x3] =	stream.linear.gather [hbm4b:s7+s0], $0x2710, $0x38;
	[tilespmem:$0x1B9E0] =	vst v63  }
0x2a: {  	_ =	swait.ge [sflag:s13], $0x2710  }
0x2b: {  	[sflag:s13] =	ssyncset.done $0x0  }
0x2c: {  	[sflag:s13] =	ssyncadd.s32 $0xFFFFD8F0  }
0x2d: {  	[tilespmem:$0x186A0] =	vst v0  }
0x2e: {  	[tilespmem:$0x186B0] =	vst v1  }
0x2f: {  	[tilespmem:$0x186C0] =	vst v2  }
0x30: {  	[tilespmem:$0x186D0] =	vst v3  }
0x31: {  	[tilespmem:$0x186E0] =	vst v4  }
0x32: {  	[tilespmem:$0x186F0] =	vst v5  }
0x33: {  	[tilespmem:$0x18700] =	vst v6  }
0x34: {  	[tilespmem:$0x18710] =	vst v7  }
0x35: {  	[tilespmem:$0x18720] =	vst v8  }
0x36: {  	[tilespmem:$0x18730] =	vst v9  }
0x37: {  	[tilespmem:$0x18740] =	vst v10  }
0x38: {  	[tilespmem:$0x18750] =	vst v11  }
0x39: {  	[tilespmem:$0x18760] =	vst v12  }
0x3a: {  	[tilespmem:$0x18770] =	vst v13  }
0x3b: {  	[tilespmem:$0x18780] =	vst v14  }
0x3c: {  	[tilespmem:$0x18790] =	vst v15  }
0x3d: {  	[tilespmem:$0x187A0] =	vst v16  }
0x3e: {  	[tilespmem:$0x187B0] =	vst v17  }
0x3f: {  	[tilespmem:$0x187C0] =	vst v18  }
0x40: {  	s28 =	simm.s32 $0x4E20;
	s29 =	simm.s32 $0x140;
	[tilespmem:$0x187D0] =	vst v19  }
0x41: {  	s31 =	simm.s32 $0x0;
	s30 =	simm.s32 $0x50A0;
	[bflag:$0x0] =	sbarrier.arrive $0xFFFF  }
.LBB2_7:
0x42: {  	[tilespmem:s28], [sflag:$0x1] =	stream.indirect.gather [spmem:s2], $0x8, s31, s15, $0xb8;
	[tilespmem:$0x1B9E0] =	vst v63  }
0x43: {  	s0 =	smov.u32 s29;
	s28 =	smov.u32 s30;
	p2 =	sne.s32 s29, $0x9B00  }
.Ltmp3:
0x44: {  	s29 =	sadd.s32 $0x140, s29;
	(pc) =	sbr.rel @p2 .LBB2_7-.Ltmp3, $2  }
0x45: {  	_ =	sdelay $0x2  }
0x46: {  	s30 =	sadd.s32 $0x280, s30;
	s31 =	sshra.s32 s0, $0x2  }
0x47: {  	[tilespmem:s28], [sflag:$0x1] =	stream.indirect.gather [spmem:s2], $0x8, s31, s15, $0xb8;
	[tilespmem:$0x1B9E0] =	vst v63  }
0x48: {  	_ = 	snop  }
0x49: {  	[tilespmem:s16], [sflag:$0x3] =	stream.linear.gather [spmem:s8], $0xA00, $0x38;
	[tilespmem:$0x1B9E0] =	vst v63  }
0x4a: {  	_ =	swait.ge [sflag:s13], $0xA00  }
0x4b: {  	[sflag:s13] =	ssyncset.done $0x0  }
0x4c: {  	[sflag:s13] =	ssyncadd.s32 $0xFFFFF600  }
0x4d: {  	[spmem:s1] =	stream.indirect.scatter.add.f32 [tilespmem:s16], [sflag:$0x2], $0x8, s17, s15, $0xb8;
	[tilespmem:$0x1B9E0] =	vst v63  }
0x4e: {  	_ = 	snop  }
0x4f: {  	[spmem:s1] =	stream.indirect.scatter.add.f32 [tilespmem:s19], [sflag:$0x2], $0x8, s18, s15, $0xb8;
	[tilespmem:$0x1B9E0] =	vst v63  }
0x50: {  	_ = 	snop  }
0x51: {  	[spmem:s1] =	stream.indirect.scatter.add.f32 [tilespmem:s21], [sflag:$0x2], $0x8, s20, s15, $0xb8;
	[tilespmem:$0x1B9E0] =	vst v63  }
0x52: {  	_ = 	snop  }
0x53: {  	[spmem:s1] =	stream.indirect.scatter.add.f32 [tilespmem:s23], [sflag:$0x2], $0x8, s22, s15, $0xb8;
	[tilespmem:$0x1B9E0] =	vst v63  }
0x54: {  	_ =	swait.ge [sflag:s24], $0x280  }
0x55: {  	s28 =	simm.s32 $0x4E20;
	[sflag:s24] =	ssyncset.done $0x0  }
0x56: {  	s0 =	simm.s32 $0x2710;
	s29 =	simm.s32 $0x140;
	[sflag:s24] =	ssyncadd.s32 $0xFFFFFD80  }
0x57: {  	[spmem:s1] =	stream.indirect.scatter.add.f32 [tilespmem:s28], [sflag:$0x2], $0x8, s0, s15, $0xb8;
	[tilespmem:$0x1B9E0] =	vst v63  }
.LBB2_9:
0x58: {  	_ =	swait.ge [sflag:s24], $0x280;
	p2 =	sne.s32 s29, $0x9B00  }
.Ltmp4:
0x59: {  	(pc) =	sbr.rel @p2 .LBB2_9-.Ltmp4, $4  }
0x5a: {  	s0 =	sshra.s32 s29, $0x2  }
0x5b: {  	s29 =	sadd.s32 $0x140, s29;
	[sflag:s24] =	ssyncset.done $0x0  }
0x5c: {  	s28 =	sadd.s32 $0x280, s28;
	s0 =	sadd.s32 $0x2710, s0;
	[sflag:s24] =	ssyncadd.s32 $0xFFFFFD80  }
0x5d: {  	[spmem:s1] =	stream.indirect.scatter.add.f32 [tilespmem:s28], [sflag:$0x2], $0x8, s0, s15, $0xb8;
	[tilespmem:$0x1B9E0] =	vst v63  }
0x5e: {  	_ =	swait.ge [sflag:s25], $0x280  }
0x5f: {  	s28 =	simm.s32 $0x80;
	[sflag:s25] =	ssyncset.done $0x0  }
.LBB2_11:
0x60: {  	p2 =	sne.s32 s28, $0x1;
	s28 =	sadd.s32 $0xFFFFFFFF, s28;
	[sflag:s25] =	ssyncadd.s32 $0xFFFFFD80  }
.Ltmp5:
0x61: {  	(pc) =	sbr.rel @p2 .LBB2_11-.Ltmp5, $3  }
0x62: {  	_ =	sdelay $0x1  }
0x63: {  	_ =	swait.ge [sflag:s25], $0x280  }
0x64: {  	[sflag:s25] =	ssyncset.done $0x0  }
0x65: {  	[sflag:s25] =	ssyncadd.s32 $0xFFFFFD80;
	s0 =	sshrl.u32 @!p1 s1, $0x3;
	s3 =	sadd.s32 $0x1, s3  }
0x66: {  	s28 =	simm.s32 @!p1 $0x1C03;
	[bflag:$0x0] =	sbarrier.arrive $0xFFFF;
	p2 =	sne.s32 s3, s10  }
0x67: {  	[hbm:s9], [sflag:s28] =	dma.local @!p1 [spmem:s0], $0x2800  }
.Ltmp6:
0x68: {  	_ = 	snop;
	(pc) =	sbr.rel @p2 .LBB2_1-.Ltmp6, $4  }
0x69: {  	s0 =	simm.s32 @!p1 $0x3  }
0x6a: {  	_ =	swait.ge @!p1 [sflag:s0], $0x2800  }
0x6b: {  	[sflag:s0] =	ssyncset.done @!p1 $0x0  }
0x6c: {  	[sflag:s0] =	ssyncadd.s32 @!p1 $0xFFFFD800  }
0x6d: {  	_ =	sfence.sel $0x180000  }
0x6e: {  	[bflag:$0x0] =	sbarrier.arrive $0xFFFF  }
0x6f: {  	_ =	strace $0x9000004D  }
0x70: {  	[bflag:$0x2] =	sbarrier.arrive $0xFFFF  }
0x71: {  	s0 =	rddreg [dreg:$0x3]  }
0x72: {  	s0 =	sadd.s32 @!p1 $0x100000, s0  }
0x73: {  	[sflag:s0] =	ssyncadd.tile.s32 @!p1 $0x1;
	_ =	shalt  }
.Lfunc_end2:
_tile_overlayer_lowered:
.L_overlay_start_2:
0x74: {  	(tag) =	ssettag $0x2  }
0x75: {  	s0 =	rddreg [dreg:$0x0];
	s2 =	stileid.u32  }
0x76: {  	s1 =	rddreg [dreg:$0x1];
	p0 =	sne.s32 s2, $0x0  }
0x77: {  	s3 =	rddreg [dreg:$0x2];
	[bflag:$0x3] =	sbarrier.arrive $0xFFFF;
	s2 =	simm.s32 @!p0 $0x1C03  }
0x78: {  	[timem:s3], [sflag:s2] =	dma.local @!p0 [hbm:s0], s1  }
0x79: {  	s0 =	simm.s32 @!p0 $0x3  }
0x7a: {  	_ =	swait.ge @!p0 [sflag:s0], s1  }
0x7b: {  	s1 =	ssub.s32 @!p0 $0x0, s1;
	[sflag:s0] =	ssyncset.done @!p0 $0x0  }
0x7c: {  	[sflag:s0] =	ssyncadd.s32 @!p0 s1  }
0x7d: {  	[bflag:$0x3] =	sbarrier.arrive $0xFFFF  }
0x7e: {  	_ =	shalt  }

// kernel: kernel.9.cloned.1.call-start
scs
__scs_entry_jumppad:
0x0: {  	(pc) =	sbr.rel $0x88, $3  }
0x1: {  	(tag) =	ssettag $0x0;
	lr =	simm.s32 $0x1  }
0x2: {  	[smem:$0x3F9B] =	sst lr;
	_ =	strace $0xD0000000  }
0x3: {  	_ = 	snop  }
0x4: {  	_ = 	snop  }
0x5: {  	_ = 	snop  }
0x6: {  	_ = 	snop  }
0x7: {  	_ = 	snop  }
__scs_overlays_trampoline_lowered:
0x8: {  	[smem:$0x3FAA] =	sst s0  }
0x9: {  	[smem:$0x3FAB] =	sst s1  }
0xa: {  	[smem:$0x3FAC] =	sst s2  }
0xb: {  	[smem:$0x3FAD] =	sst s3  }
0xc: {  	[smem:$0x3FAE] =	sst s4  }
0xd: {  	[smem:$0x3FAF] =	sst s5  }
0xe: {  	[smem:$0x3FB0] =	sst s6  }
0xf: {  	[smem:$0x3FB1] =	sst s7  }
0x10: {  	[smem:$0x3FB2] =	sst s8  }
0x11: {  	[smem:$0x3FB3] =	sst s9;
	s0 =	simm.s32 @!p0 $0x0  }
0x12: {  	s1 =	sld [smem:$0x3F99];
	s0 =	simm.s32 @p0 $0x1  }
0x13: {  	[smem:$0x3FB4] =	sst s0;
	s0 =	simm.s32 @!p1 $0x0  }
0x14: {  	s2 =	sld [smem:$0x3F98];
	s0 =	simm.s32 @p1 $0x1  }
0x15: {  	[smem:$0x3FB5] =	sst s0;
	s0 =	simm.s32 @!p2 $0x0  }
0x16: {  	s3 =	sld [smem:$0x3FDB];
	s0 =	simm.s32 @p2 $0x1  }
0x17: {  	s4 =	simm.s32 $0x1BF5;
	[smem:$0x3FB7] =	sst s0  }
0x18: {  	s0 =	sld [smem:$0x3F9A];
	_ =	swait.ge [sflag:s4], $0x0  }
0x19: {  	s7 =	sld [smem:$0x3F9B]  }
0x1a: {  	s8 =	sadd.s32 $0xFFFFE003, lr  }
0x1b: {  	s9 =	sadd.s32 $0xFFFFFEF7, lr;
	s5 =	simm.s32 $0xFFFFFFFF;
	p2 =	slt.u32 s8, $0xFFFFF086  }
0x1c: {  	p1 =	slt.u32 s9, $0xF7A;
	s5 =	simm.s32 @!p2 $0x0  }
0x1d: {  	s5 =	simm.s32 @p1 $0x1;
	p0 =	seq.s32 s7, s2  }
0x1e: {  	s7 =	smul.u32 @!p0 $0xF7A, s2;
	p2 =	seq.s32 @!p0 s5, $0x0  }
0x1f: {  	s9 =	smul.u32 $0xF7A, s1;
	s8 =	simm.s32 @!p0 $0x1BF5;
	p2 =	por !p2, p0  }
0x20: {  	[sflag:s8] =	ssyncset.s32 @!p0 $0xFFFFF086;
	s6 =	sadd.s32 @!p0 s3, s7;
	s7 =	simm.s32 @!p0 $0x108  }
0x21: {  	s3 =	sadd.s32 s3, s9;
	s6 =	sadd.s32 @!p0 $0x88, s6;
	s7 =	simm.s32 @p2 $0x1082  }
0x22: {  	[simem:s7], [sflag:s8] =	dma.local @!p0 [hbm:s6], $0xF7A  }
0x23: {  	s9 =	sor.u32 $0xD0000000, s2;
	s6 =	simm.s32 $0x108;
	_ =	swait.ge @!p0 [sflag:s8], $0x0  }
0x24: {  	s3 =	sadd.s32 $0x88, s3;
	s6 =	simm.s32 @!p1 $0x1082;
	[sflag:s4] =	ssyncset.s32 $0xFFFFF086  }
0x25: {  	[simem:s6], [sflag:s4] =	dma.local [hbm:s3], $0xF7A  }
0x26: {  	[smem:$0x3F9B] =	sst s1;
	(tag) =	ssettag s2;
	_ =	strace s9  }
0x27: {  	s1 =	sld [smem:$0x3FAB]  }
0x28: {  	s2 =	sld [smem:$0x3FAC]  }
0x29: {  	s4 =	sld [smem:$0x3FAE]  }
0x2a: {  	p0 =	seq.s32 s5, $0x0;
	s5 =	sld [smem:$0x3FAF]  }
0x2b: {  	s6 =	sld [smem:$0x3FB0]  }
0x2c: {  	s7 =	sld [smem:$0x3FB1]  }
0x2d: {  	s3 =	simm.s32 $0x108;
	s8 =	sld [smem:$0x3FB2]  }
0x2e: {  	s3 =	simm.s32 @!p0 $0x1082;
	s9 =	sld [smem:$0x3FB3]  }
0x2f: {  	lr =	sadd.s32 s0, s3;
	s0 =	sld [smem:$0x3FAA]  }
0x30: {  	s3 =	sld [smem:$0x3FAD]  }
0x31: {  	[smem:$0x3FB6] =	sst s10  }
0x32: {  	s10 =	sld [smem:$0x3FB4];
	_ =	sdelay $0x3  }
0x33: {  	p0 =	seq.s32 s10, $0x1;
	s10 =	sld [smem:$0x3FB6];
	_ =	sdelay $0x3  }
0x34: {  	[smem:$0x3FB6] =	sst s10  }
0x35: {  	s10 =	sld [smem:$0x3FB5];
	_ =	sdelay $0x3  }
0x36: {  	p1 =	seq.s32 s10, $0x1;
	s10 =	sld [smem:$0x3FB6];
	_ =	sdelay $0x3  }
0x37: {  	[smem:$0x3FB6] =	sst s10  }
0x38: {  	s10 =	sld [smem:$0x3FB7]  }
0x39: {  	_ = 	snop;
	(pc) =	sbr.ind lr, $3  }
0x3a: {  	_ = 	snop  }
0x3b: {  	_ = 	snop  }
0x3c: {  	p2 =	seq.s32 s10, $0x1;
	s10 =	sld [smem:$0x3FB6]  }
0x3d: {  	_ =	shalt  }
0x3e: {  	_ =	shalt  }
0x3f: {  	_ =	shalt  }
0x40: {  	_ =	shalt  }
0x41: {  	_ =	shalt  }
0x42: {  	_ =	shalt  }
0x43: {  	_ =	shalt  }
0x44: {  	_ =	shalt  }
0x45: {  	_ =	shalt  }
0x46: {  	_ =	shalt  }
0x47: {  	_ =	shalt  }
0x48: {  	_ =	shalt  }
0x49: {  	_ =	shalt  }
0x4a: {  	_ =	shalt  }
0x4b: {  	_ =	shalt  }
0x4c: {  	_ =	shalt  }
0x4d: {  	_ =	shalt  }
0x4e: {  	_ =	shalt  }
0x4f: {  	_ =	shalt  }
0x50: {  	_ =	shalt  }
0x51: {  	_ =	shalt  }
0x52: {  	_ =	shalt  }
0x53: {  	_ =	shalt  }
0x54: {  	_ =	shalt  }
0x55: {  	_ =	shalt  }
0x56: {  	_ =	shalt  }
0x57: {  	_ =	shalt  }
0x58: {  	_ =	shalt  }
0x59: {  	_ =	shalt  }
0x5a: {  	_ =	shalt  }
0x5b: {  	_ =	shalt  }
0x5c: {  	_ =	shalt  }
0x5d: {  	_ =	shalt  }
0x5e: {  	_ =	shalt  }
0x5f: {  	_ =	shalt  }
0x60: {  	_ =	shalt  }
0x61: {  	_ =	shalt  }
0x62: {  	_ =	shalt  }
0x63: {  	_ =	shalt  }
0x64: {  	_ =	shalt  }
0x65: {  	_ =	shalt  }
0x66: {  	_ =	shalt  }
0x67: {  	_ =	shalt  }
0x68: {  	_ =	shalt  }
0x69: {  	_ =	shalt  }
0x6a: {  	_ =	shalt  }
0x6b: {  	_ =	shalt  }
0x6c: {  	_ =	shalt  }
0x6d: {  	_ =	shalt  }
0x6e: {  	_ =	shalt  }
0x6f: {  	_ =	shalt  }
0x70: {  	_ =	shalt  }
0x71: {  	_ =	shalt  }
0x72: {  	_ =	shalt  }
0x73: {  	_ =	shalt  }
0x74: {  	_ =	shalt  }
0x75: {  	_ =	shalt  }
0x76: {  	_ =	shalt  }
0x77: {  	_ =	shalt  }
0x78: {  	_ =	shalt  }
0x79: {  	_ =	shalt  }
0x7a: {  	_ =	shalt  }
0x7b: {  	_ =	shalt  }
0x7c: {  	_ =	shalt  }
0x7d: {  	_ =	shalt  }
0x7e: {  	_ =	shalt  }
0x7f: {  	_ =	shalt  }
0x80: {  	_ =	shalt  }
0x81: {  	_ =	shalt  }
0x82: {  	_ =	shalt  }
0x83: {  	_ =	shalt  }
0x84: {  	_ =	shalt  }
0x85: {  	_ =	shalt  }
0x86: {  	_ =	shalt  }
0x87: {  	_ =	shalt  }
.Lfunc_end0:
.L_simem_size_0:
called_computation_lowered:
.L_overlay_start_0:
0x88: {  	s2 =	sld [smem:$0x3FD9]  }
0x89: {  	s3 =	sld [smem:$0x3FFE];
	_ =	sdelay $0x1  }
0x8a: {  	s1 =	srdreg.scid  }
0x8b: {  	s0 =	sand.u32 $0x1, s1  }
0x8c: {  	s17 =	sshll.u32 s0, $0xA;
	s2 =	sadd.s32 s3, s2  }
0x8d: {  	s2 =	sadd.s32 s2, s17  }
0x8e: {  	[smem:$0x3FC2] =	sst s2  }
0x8f: {  	_ = 	snop  }
0x90: {  	s2 =	sld [smem:$0x3FD0];
	(tm) =	ssettm $0x1  }
0x91: {  	s18 =	sld [smem:$0x3FFB];
	_ =	sdelay $0x3  }
0x92: {  	_ =	strace s18  }
0x93: {  	s3 =	sld [smem:$0x3FFC];
	_ =	sdelay $0x3  }
0x94: {  	_ =	strace s3  }
0x95: {  	s3 =	sld [smem:$0x3FFD];
	_ =	sdelay $0x3  }
0x96: {  	_ =	strace s3  }
0x97: {  	_ =	strace $0x8FFFFFFF  }
0x98: {  	s19 =	sld [smem:$0x3FDB];
	_ =	sdelay $0x1  }
0x99: {  	s4 =	simm.s32 $_scs_section_size  }
0x9a: {  	s5 =	simm.s32 $_size__tile_overlayer_lowered;
	s6 =	simm.s32 $_tile_overlayer_lowered  }
0x9b: {  	s22 =	simm.s32 $0x1BFF;
	s21 =	sshll.u32 s6, $0x1;
	s3 =	sadd.s32 s4, s19  }
0x9c: {  	s7 =	simm.s32 $0x0;
	s20 =	sshll.u32 s5, $0x1;
	s5 =	sadd.s32 s21, s3  }
0x9d: {  	[timem:s7], [sflag:s22] =	dma.local [hbm:s5], s20  }
0x9e: {  	_ =	swait.ge [sflag:s22], s20  }
0x9f: {  	s4 =	ssub.s32 $0x0, s20;
	[sflag:s22] =	ssyncset.done $0x0  }
0xa0: {  	[sflag:s22] =	ssyncadd.s32 s4;
	_ =	sdelay $0x1  }
0xa1: {  	s23 =	simm.s32 $0x1B8B  }
0xa2: {  	_ =	swait.ge [sflag:s23], $0x1  }
0xa3: {  	[sflag:s23] =	ssyncset.done $0x0  }
0xa4: {  	s25 =	simm.s32 $0x1B8E;
	s24 =	sld [smem:$0x3FFE];
	[sflag:s23] =	ssyncadd.s32 $0xFFFFFFFF  }
0xa5: {  	s26 =	simm.s32 $execute0_lowered;
	[smem:$0x3FD2] =	sst s25  }
0xa6: {  	s5 =	sshll.u32 s26, $0x1;
	_ =	strace $0x80000046;
	[dreg:$0x1] =	wrdreg $0xFFFFFFFF  }
0xa7: {  	s28 =	simm.s32 $_size_execute0_lowered;
	s3 =	sadd.s32 s3, s5;
	[dreg:$0x0] =	wrdreg $0x0  }
0xa8: {  	s5 =	sshll.u32 s28, $0x1;
	[dreg:$0x2] =	wrdreg s3  }
0xa9: {  	[dreg:$0x3] =	wrdreg s5  }
0xaa: {  	[dreg:$0x4] =	wrdreg $0xC0  }
0xab: {  	_ =	task [dreg:s7], $0x5FFFF  }
0xac: {  	[dreg:$0x1] =	wrdreg $0xFFFFFFFF  }
0xad: {  	[dreg:$0x0] =	wrdreg $0x60  }
0xae: {  	[dreg:$0x2] =	wrdreg s24  }
0xaf: {  	[dreg:$0x3] =	wrdreg s2  }
0xb0: {  	[dreg:$0x4] =	wrdreg $0x27600  }
0xb1: {  	[dreg:$0x5] =	wrdreg $0x9  }
0xb2: {  	_ =	task.clear_ibuf [dreg:s7], $0x6FFFF;
	_ =	strace $0x90000046  }
0xb3: {  	s29 =	simm.s32 $0x9;
	_ =	strace $0x80000048  }
0xb4: {  	_ =	swait.ge [sflag:s29], $0x1  }
0xb5: {  	[sflag:s29] =	ssyncadd.s32 $0xFFFFFFFF  }
0xb6: {  	_ =	strace $0x90000048  }
0xb7: {  	_ =	sfence  }
0xb8: {  	s30 =	sld [smem:$0x0];
	_ =	sdelay $0x2  }
0xb9: {  	s31 =	sshll.u32 s1, $0xD;
	s1 =	sshrl.u32 s1, $0x2  }
0xba: {  	s3 =	sand.u32 $0x4000, s31;
	s1 =	sadd.s32 s1, s30  }
0xbb: {  	s0 =	sor.u32 s3, s0;
	s1 =	sshll.u32 s1, $0x11  }
0xbc: {  	s0 =	sor.u32 s1, s0  }
0xbd: {  	s0 =	sadd.s32 $0x8F2B, s0  }
0xbe: {  	[sflag:s0] =	ssyncadd.remote.s32 $0x1  }
0xbf: {  	_ =	sfence.sel $0xFFFF  }
0xc0: {  	[dreg:$0x0] =	wrdreg $0xFFFFFFFF;
	(pc) =	sbr.abs _section_cstart, $3  }
0xc1: {  	[dreg:$0x1] =	wrdreg $0xFFFFFFFF  }
0xc2: {  	_ =	task.clear_ibuf [dreg:s7], $0x2FFFF;
	_ =	strace $0x9FFFFFFF  }
0xc3: {  	(tm) =	ssettm $0x7FFFFFFF  }
tec
execute0_lowered:
.L_overlay_start_1:
0x0: {  	(tag) =	ssettag $0x1  }
0x1: {  	s4 =	rddreg [dreg:$0x0]  }
0x2: {  	s6 =	rddreg [dreg:$0x1]  }
0x3: {  	s0 =	srdreg.scid;
	s1 =	rddreg [dreg:$0x2]  }
0x4: {  	s8 =	stileid.u32;
	s2 =	simm.s32 $0x0;
	s12 =	simm.s32 $0x1  }
0x5: {  	s13 =	simm.s32 $0x0;
	s5 =	sand.u32 $0x1, s0;
	s0 =	rddreg [dreg:$0x3]  }
0x6: {  	[smem:$0x7FF] =	sst s2;
	p0 =	sne.s32 s8, $0x0;
	s3 =	sshll.u32 s5, $0x4  }
0x7: {  	s9 =	ssub.s32 $0x2, s5;
	s11 =	smul.u32 $0x500, s5;
	s3 =	sor.u32 s8, s3  }
0x8: {  	_ =	strace $0x80000047;
	s10 =	sshrl.u32 s9, $0x1;
	s7 =	smul.u32 $0x2710, s3  }
0x9: {  	s8 =	sshrl.u32 @!p0 s1, $0x3;
	s3 =	sadd.s32 $0x15E00, s4;
	s9 =	ssub.s32 s9, s10  }
0xa: {  	s6 =	sadd.s32 s6, s11;
	s10 =	simm.s32 $0x2;
	s7 =	sshrl.u32 s7, $0x3  }
0xb: {  	s11 =	simm.s32 $0x50;
	s7 =	sadd.s32 s4, s7;
	s4 =	sadd.s32 $0x15C00, s4  }
0xc: {  	s5 =	sadd.s32 $0xBE40, s7;
	s7 =	smax.u32 s9, $0x1;
	s9 =	simm.s32 $0x2710  }
.LBB2_1:
0xd: {  	s14 =	simm.s32 @!p0 $0x1C02  }
0xe: {  	[spmem:s8], [sflag:s14] =	dma.local @!p0 [hbm:s3], $0x500  }
0xf: {  	s14 =	simm.s32 @!p0 $0x2  }
0x10: {  	_ =	swait.ge @!p0 [sflag:s14], $0x500  }
0x11: {  	[sflag:s14] =	ssyncset.done @!p0 $0x0  }
0x12: {  	[sflag:s14] =	ssyncadd.s32 @!p0 $0xFFFFFB00  }
0x13: {  	[tilespmem:s9], [sflag:$0x2] =	stream.linear.gather [hbm4b:s4+s2], $0x50, $0x38;
	[tilespmem:$0x29E0] =	vst v63  }
0x14: {  	_ =	swait.ge [sflag:s10], $0x50  }
0x15: {  	[sflag:s10] =	ssyncset.done $0x0  }
0x16: {  	[sflag:s10] =	ssyncadd.s32 $0xFFFFFFB0  }
0x17: {  	[tilespmem:s2], [sflag:$0x2] =	stream.linear.gather [hbm4b:s5+s2], $0x2710, $0x38;
	[tilespmem:$0x29E0] =	vst v63  }
0x18: {  	_ =	swait.ge [sflag:s10], $0x2710  }
0x19: {  	[sflag:s10] =	ssyncset.done $0x0  }
0x1a: {  	[sflag:s10] =	ssyncadd.s32 $0xFFFFD8F0  }
0x1b: {  	s14 =	simm.s32 $0x0;
	[bflag:$0x0] =	sbarrier.arrive $0xFFFF  }
.LBB2_2:
0x1c: {  	p1 =	sne.s32 s14, $0x9B00  }
.Ltmp0:
0x1d: {  	_ = 	snop;
	(pc) =	sbr.rel @p1 .LBB2_2-.Ltmp0, $3  }
0x1e: {  	_ =	sdelay $0x1  }
0x1f: {  	s15 =	sshra.s32 s14, $0x2;
	s14 =	sadd.s32 $0x140, s14  }
0x20: {  	[spmem:s1] =	stream.indirect.scatter.add.f32 [tilespmem:s9], [sflag:$0x1], $0x1, s15, s11, $0xb8;
	[tilespmem:$0x29E0] =	vst v63  }
0x21: {  	_ =	swait.ge [sflag:s12], $0x50  }
0x22: {  	s14 =	simm.s32 $0x7C;
	[sflag:s12] =	ssyncset.done $0x0  }
.LBB2_4:
0x23: {  	p1 =	sne.s32 s14, $0x1;
	s14 =	sadd.s32 $0xFFFFFFFF, s14;
	[sflag:s12] =	ssyncadd.s32 $0xFFFFFFB0  }
.Ltmp1:
0x24: {  	(pc) =	sbr.rel @p1 .LBB2_4-.Ltmp1, $3  }
0x25: {  	_ =	sdelay $0x1  }
0x26: {  	_ =	swait.ge [sflag:s12], $0x50  }
0x27: {  	[sflag:s12] =	ssyncset.done $0x0  }
0x28: {  	[sflag:s12] =	ssyncadd.s32 $0xFFFFFFB0;
	s13 =	sadd.s32 $0x1, s13  }
0x29: {  	s14 =	simm.s32 @!p0 $0x1C02;
	[bflag:$0x0] =	sbarrier.arrive $0xFFFF;
	p1 =	sne.s32 s13, s7  }
0x2a: {  	[hbm:s6], [sflag:s14] =	dma.local @!p0 [spmem:s8], $0x500  }
.Ltmp2:
0x2b: {  	_ = 	snop;
	(pc) =	sbr.rel @p1 .LBB2_1-.Ltmp2, $4  }
0x2c: {  	s14 =	simm.s32 @!p0 $0x2  }
0x2d: {  	_ =	swait.ge @!p0 [sflag:s14], $0x500  }
0x2e: {  	[sflag:s14] =	ssyncset.done @!p0 $0x0  }
0x2f: {  	[sflag:s14] =	ssyncadd.s32 @!p0 $0xFFFFFB00  }
0x30: {  	_ =	sfence.sel $0x180000  }
0x31: {  	[bflag:$0x0] =	sbarrier.arrive $0xFFFF  }
0x32: {  	_ =	strace $0x90000047  }
0x33: {  	s0 =	sadd.s32 @!p0 $0x100000, s0;
	[bflag:$0x2] =	sbarrier.arrive $0xFFFF  }
0x34: {  	[sflag:s0] =	ssyncadd.tile.s32 @!p0 $0x1;
	_ =	shalt  }
.Lfunc_end2:
_tile_overlayer_lowered:
.L_overlay_start_2:
0x35: {  	(tag) =	ssettag $0x2  }
0x36: {  	s0 =	rddreg [dreg:$0x0];
	s2 =	stileid.u32  }
0x37: {  	s1 =	rddreg [dreg:$0x1];
	p0 =	sne.s32 s2, $0x0  }
0x38: {  	s3 =	rddreg [dreg:$0x2];
	[bflag:$0x3] =	sbarrier.arrive $0xFFFF;
	s2 =	simm.s32 @!p0 $0x1C02  }
0x39: {  	[timem:s3], [sflag:s2] =	dma.local @!p0 [hbm:s0], s1  }
0x3a: {  	s0 =	simm.s32 @!p0 $0x2  }
0x3b: {  	_ =	swait.ge @!p0 [sflag:s0], s1  }
0x3c: {  	s1 =	ssub.s32 @!p0 $0x0, s1;
	[sflag:s0] =	ssyncset.done @!p0 $0x0  }
0x3d: {  	[sflag:s0] =	ssyncadd.s32 @!p0 s1  }
0x3e: {  	[bflag:$0x3] =	sbarrier.arrive $0xFFFF  }
0x3f: {  	_ =	shalt  }

</sc_bundles>
